<compile_context>
chip_gen: v7x
topology: tpu7x:2x2x1
jax: 0.10.2.dev20260603
libtpu: 0.0.44.dev20260713+nightly
codegen_flags: <defaults>
</compile_context>

<pallas_src>
import functools

import jax
import jax.numpy as jnp
from jax import lax
from jax.experimental import pallas as pl
from jax.experimental.pallas import tpu as pltpu
from jax.experimental.pallas import tpu_sc as plsc

B, L, H = 16, 2048, 1024
HALF = H // 2
N = B * L
NW = 32
NPT = N // NW
PB = 32
NBLK = NPT // PB
TROWS = 33 * 29 + 16


def _prep_kernel(time_ref, token_ref, atom_ref, chem_ref, net_ref, whyd_ref,
                 wmass_ref, wangT_ref, wt1_ref, bt1_ref, wt2_ref, bt2_ref,
                 t_ref, fix5_ref, dte_ref):
    t = time_ref[...]
    t_all = jnp.concatenate([t, jnp.zeros((1, 1), jnp.float32)], axis=0)
    freqs = jnp.exp(
        (-jnp.log(10000.0) / HALF)
        * lax.broadcasted_iota(jnp.int32, (1, HALF), 1).astype(jnp.float32))
    args = t_all * freqs
    emb = jnp.concatenate([jnp.sin(args), jnp.cos(args)], axis=-1)
    h1 = lax.dot_general(emb, wt1_ref[...], (((1,), (1,)), ((), ())),
                         preferred_element_type=jnp.float32) + bt1_ref[...]
    h1 = h1 / (1.0 + jnp.exp(-h1))
    te_all = lax.dot_general(h1, wt2_ref[...], (((1,), (1,)), ((), ())),
                             preferred_element_type=jnp.float32) + bt2_ref[...]
    te = te_all[:B]
    te0 = te_all[B:B + 1]
    dte = te - te0
    dte_ref[...] = dte

    mask_row = jnp.sum(atom_ref[...], axis=0, keepdims=True)
    combo = (chem_ref[...][:, None, :] + net_ref[...][None, :, :]).reshape(28, H)
    combo29 = jnp.concatenate([combo, jnp.zeros((1, H), jnp.float32)], axis=0)
    tokmask = jnp.concatenate([token_ref[...], mask_row], axis=0) + te0
    tmain = (tokmask[:, None, :] + combo29[None, :, :]).reshape(33 * 29, H)
    gx = mask_row + te0 + dte
    t_ref[...] = jnp.concatenate([tmain, gx], axis=0)
    fix5_ref[...] = jnp.concatenate(
        [whyd_ref[...], wmass_ref[...], wangT_ref[...]], axis=0)


def _coef_kernel(tok_ref, chem_ref, net_ref, hyd_ref, mass_ref, a0_ref,
                 a1_ref, a2_ref, maa_ref, mpos_ref, cidx_ref, coef_ref):
    unm = maa_ref[...] == 0
    mp = mpos_ref[...] != 0
    b_iota = lax.broadcasted_iota(jnp.int32, (B, L), 0)
    cidx_ref[...] = jnp.where(
        unm, tok_ref[...] * 29 + chem_ref[...] * 4 + net_ref[...],
        jnp.where(mp, 957 + b_iota, 32 * 29 + 28))
    zero = jnp.zeros((B, L), jnp.float32)

    def cont(x):
        return jnp.where(unm, x, zero)

    def angc(x):
        a = x * (1.0 / 180.0)
        return cont(jnp.where(a == jnp.inf, 0.0, a))

    coef_ref[0] = cont(hyd_ref[...])
    coef_ref[1] = cont(mass_ref[...])
    coef_ref[2] = angc(a0_ref[...])
    coef_ref[3] = angc(a1_ref[...])
    coef_ref[4] = angc(a2_ref[...])
    coef_ref[5] = cont(jnp.where(mp, 1.0, 0.0))


def _bcast_lane(vec, lane):
    idx = jnp.full((16, 1), lane, jnp.int32)
    return lax.gather(
        vec, idx,
        lax.GatherDimensionNumbers(offset_dims=(), collapsed_slice_dims=(0,),
                                   start_index_map=(0,)),
        slice_sizes=(1,),
        mode=lax.GatherScatterMode.PROMISE_IN_BOUNDS)


def _sc_body(t_hbm, cidx_hbm, coef_hbm, fix5_hbm, dte_hbm, out_hbm,
             idx_v, coef_v, fix_v, buf, gsem, ssem):
    wid = lax.axis_index("s") * 2 + lax.axis_index("c")
    base = wid * NPT
    b = wid // 2
    pltpu.sync_copy(cidx_hbm.at[wid], idx_v)
    pltpu.sync_copy(coef_hbm.at[:, pl.ds(wid * (NPT // 128), NPT // 128), :],
                    coef_v)
    pltpu.sync_copy(fix5_hbm, fix_v.at[pl.ds(0, 5)])
    pltpu.sync_copy(dte_hbm.at[b], fix_v.at[5])

    pltpu.async_copy(t_hbm.at[idx_v.at[0]], buf.at[0], gsem)

    def blk_body(blk, carry):
        cur = lax.rem(blk, 2)
        nxt = 1 - cur

        @pl.when(blk > 0)
        def _():
            pltpu.make_async_copy(buf.at[nxt],
                                  out_hbm.at[pl.ds(base, PB)], ssem).wait()

        @pl.when(blk + 1 < NBLK)
        def _():
            pltpu.async_copy(t_hbm.at[idx_v.at[blk + 1]], buf.at[nxt], gsem)

        pltpu.make_async_copy(t_hbm.at[pl.ds(0, PB)], buf.at[cur],
                              gsem).wait()
        if True:
            pass
        pltpu.async_copy(buf.at[cur], out_hbm.at[pl.ds(base + blk * PB, PB)],
                         ssem)
        return carry

    lax.fori_loop(0, NBLK, blk_body, 0, unroll=False)
    pltpu.make_async_copy(buf.at[0], out_hbm.at[pl.ds(base, PB)], ssem).wait()


def kernel(tokens, chem_polar, net_charge, hydropathy, mol_mass, ang, time,
           mask_aa, mask_pos, token_embed, atom_mask_embedding, chem_polar_W,
           net_charge_W, W_hydro, W_mass, W_ang, W_t1, b_t1, W_t2, b_t2):
    time_f = time.astype(jnp.float32).reshape(B, 1)
    tbl, fix5, dte = pl.pallas_call(
        _prep_kernel,
        out_shape=[jax.ShapeDtypeStruct((TROWS, H), jnp.float32),
                   jax.ShapeDtypeStruct((5, H), jnp.float32),
                   jax.ShapeDtypeStruct((B, H), jnp.float32)],
    )(time_f, token_embed, atom_mask_embedding, chem_polar_W, net_charge_W,
      W_hydro.reshape(1, H), W_mass.reshape(1, H), W_ang.T, W_t1,
      b_t1.reshape(1, H), W_t2, b_t2.reshape(1, H))

    cidx, coef = pl.pallas_call(
        _coef_kernel,
        out_shape=[jax.ShapeDtypeStruct((B, L), jnp.int32),
                   jax.ShapeDtypeStruct((6, B, L), jnp.float32)],
    )(tokens, chem_polar, net_charge,
      hydropathy.reshape(B, L), mol_mass.reshape(B, L),
      ang[:, :, 0], ang[:, :, 1], ang[:, :, 2],
      mask_aa.reshape(B, L), mask_pos.reshape(B, L))

    mesh = plsc.VectorSubcoreMesh(core_axis_name="c", subcore_axis_name="s",
                                  num_cores=2, num_subcores=16)
    sc = functools.partial(
        pl.kernel,
        out_type=jax.ShapeDtypeStruct((N, H), jnp.float32),
        mesh=mesh,
        scratch_types=[
            pltpu.VMEM((NBLK, PB), jnp.int32),
            pltpu.VMEM((6, NPT // 128, 128), jnp.float32),
            pltpu.VMEM((6, H), jnp.float32),
            pltpu.VMEM((2, PB, H), jnp.float32),
            pltpu.SemaphoreType.DMA,
            pltpu.SemaphoreType.DMA,
        ],
    )(_sc_body)
    out = sc(tbl, cidx.reshape(NW, NBLK, PB),
             coef.reshape(6, N // 128, 128), fix5, dte)
    return out.reshape(B, L, H)

# --- scband reference (transcript-rebuilt; emitter-appended) ---
"""Pipeline reference for scband-residue-feature-72851235274810 (READ-ONLY COPY).

The authoritative reference and input builder live on the scoring server;
editing this copy changes nothing except your own understanding.
"""

import jax, jax.numpy as jnp
import numpy as np

B, L, H = 16, 2048, 1024
NUM_RES = 32
T_STEPS = 1010


def timestep_embedding(t, dim):
    half = dim // 2
    freqs = jnp.exp(-np.log(10000.0) * jnp.arange(half, dtype=jnp.float32) / half)
    args = t.astype(jnp.float32)[:, None] * freqs[None, :]
    return jnp.concatenate([jnp.sin(args), jnp.cos(args)], axis=-1)


def setup_inputs(seed: int = 0) -> dict:
    key = jax.random.key(seed)
    ks = jax.random.split(key, 20)
    tokens = jax.random.randint(ks[0], (B, L), 0, NUM_RES)
    chem_polar = jax.random.randint(ks[1], (B, L), 0, 7)
    net_charge = jax.random.randint(ks[2], (B, L), 0, 4)
    hydropathy = jax.random.normal(ks[3], (B, L, 1), dtype=jnp.float32)
    mol_mass = jax.random.normal(ks[4], (B, L, 1), dtype=jnp.float32)
    ang = jax.random.uniform(ks[5], (B, L, 3), dtype=jnp.float32) * 360.0 - 180.0
    time = jax.random.randint(ks[6], (B,), 0, T_STEPS)
    mask_aa = jax.random.randint(ks[7], (B, L, 1), 0, 2)
    mask_pos = jax.random.randint(ks[8], (B, L, 1), 0, 2)
    token_embed = jax.random.normal(ks[9], (NUM_RES, H), dtype=jnp.float32) * 0.02
    atom_mask_embedding = jax.random.normal(ks[10], (9, H), dtype=jnp.float32) * 0.02
    chem_polar_W = jax.random.normal(ks[11], (7, H), dtype=jnp.float32) * 0.02
    net_charge_W = jax.random.normal(ks[12], (4, H), dtype=jnp.float32) * 0.02
    W_hydro = jax.random.normal(ks[13], (H,), dtype=jnp.float32) * 0.02
    W_mass = jax.random.normal(ks[14], (H,), dtype=jnp.float32) * 0.02
    W_ang = jax.random.normal(ks[15], (H, 3), dtype=jnp.float32) * 0.02
    W_t1 = jax.random.normal(ks[16], (H, H), dtype=jnp.float32) * 0.02
    b_t1 = jnp.zeros((H,), dtype=jnp.float32)
    W_t2 = jax.random.normal(ks[17], (H, H), dtype=jnp.float32) * 0.02
    b_t2 = jnp.zeros((H,), dtype=jnp.float32)
    return {"tokens": tokens, "chem_polar": chem_polar, "net_charge": net_charge,
            "hydropathy": hydropathy, "mol_mass": mol_mass, "ang": ang, "time": time,
            "mask_aa": mask_aa, "mask_pos": mask_pos, "token_embed": token_embed,
            "atom_mask_embedding": atom_mask_embedding, "chem_polar_W": chem_polar_W,
            "net_charge_W": net_charge_W, "W_hydro": W_hydro, "W_mass": W_mass,
            "W_ang": W_ang, "W_t1": W_t1, "b_t1": b_t1, "W_t2": W_t2, "b_t2": b_t2}


def reference(tokens, chem_polar, net_charge, hydropathy, mol_mass, ang, time,
              mask_aa, mask_pos, token_embed, atom_mask_embedding, chem_polar_W,
              net_charge_W, W_hydro, W_mass, W_ang, W_t1, b_t1, W_t2, b_t2):
    # 1. token embedding (gather)
    x = jnp.take(token_embed, tokens, axis=0)
    mask_embedding = atom_mask_embedding.sum(axis=0)
    # 2. property features
    x = x + jnp.take(chem_polar_W, chem_polar, axis=0)
    x = x + jnp.take(net_charge_W, net_charge, axis=0)
    x = x + hydropathy * W_hydro[None, None, :]   # Linear(1,H,bias=False)
    x = x + mol_mass * W_mass[None, None, :]      # Linear(1,H,bias=False)
    # 3. angle features
    a = ang / 180.0
    a = jnp.where(a == jnp.inf, 0.0, a)
    x = x + jnp.einsum('bls,hs->blh', a, W_ang)
    # masked scatter-overwrite: x[mask_aa.bool().squeeze(-1)] = mask_embedding
    x = jnp.where(mask_aa.astype(bool), mask_embedding[None, None, :], x)
    # time embedding (positional sinusoid + MLP)
    def time_mlp(t):
        e = timestep_embedding(t, H)
        return jax.nn.silu(e @ W_t1.T + b_t1) @ W_t2.T + b_t2
    te = time_mlp(time)
    te0 = time_mlp(jnp.zeros_like(time))
    time_embedding = jnp.where(mask_pos.astype(bool), te[:, None, :], te0[:, None, :])
    return x + time_embedding

if __name__ == "__main__":
    import jax
    _d = setup_inputs()
    print(jax.jit(kernel)(*tuple(_d.values())))

</pallas_src>

<mosaic_0001>
#map = affine_map<(d0, d1) -> (0, 0)>
#map1 = affine_map<(d0, d1) -> (0, 0, 0)>
module attributes {stable_mosaic.version = 14 : i64} {
  func.func @_sc_body(%arg0: i32, %arg1: i32, %arg2: memref<973x1024xf32, #tpu.memory_space<hbm>>, %arg3: memref<32x32x32xi32, #tpu.memory_space<hbm>>, %arg4: memref<6x256x128xf32, #tpu.memory_space<hbm>>, %arg5: memref<5x1024xf32, #tpu.memory_space<hbm>>, %arg6: memref<16x1024xf32, #tpu.memory_space<hbm>>, %arg7: memref<32768x1024xf32, #tpu.memory_space<hbm>>, %arg8: memref<32x32xi32, #tpu.memory_space<vmem>>, %arg9: memref<6x8x128xf32, #tpu.memory_space<vmem>>, %arg10: memref<6x1024xf32, #tpu.memory_space<vmem>>, %arg11: memref<2x32x1024xf32, #tpu.memory_space<vmem>>, %arg12: memref<!tpu.dma_semaphore, #tpu.memory_space<semaphore_mem>>, %arg13: memref<!tpu.dma_semaphore, #tpu.memory_space<semaphore_mem>>) attributes {dimension_semantics = [#tpu.dimension_semantics<core_parallel>, #tpu.dimension_semantics<subcore_parallel>], iteration_bounds = array<i64: 2, 16>, scalar_prefetch = 0 : i64, scratch_operands = 6 : i64, tpu.core_type = #tpu.core_type<sc_vector_subcore>, window_params = [{transform_indices = #map}, {transform_indices = #map1}, {transform_indices = #map1}, {transform_indices = #map}, {transform_indices = #map}, {transform_indices = #map}]} {
    %mul3A = arith.constant 2 : i32
    %mul3A_0 = arith.muli %arg1, %mul3A : i32
    %add3A = arith.addi %mul3A_0, %arg0 : i32
    %mul3A_1 = arith.constant 1024 : i32
    %mul3A_2 = arith.muli %add3A, %mul3A_1 : i32
    %jit3A = arith.constant 2 : i32
    %div3A = arith.divsi %add3A, %jit3A : i32
    %sign3A = arith.constant 0 : i32
    %sign3A_3 = arith.cmpi sgt, %add3A, %sign3A : i32
    %sign3A_4 = arith.extui %sign3A_3 : i1 to i32
    %sign3A_5 = arith.constant 0 : i32
    %sign3A_6 = arith.cmpi slt, %add3A, %sign3A_5 : i32
    %sign3A_7 = arith.extui %sign3A_6 : i1 to i32
    %sign3A_8 = arith.subi %sign3A_4, %sign3A_7 : i32
    %sign3A_9 = arith.constant 0 : i32
    %sign3A_10 = arith.cmpi sgt, %jit3A, %sign3A_9 : i32
    %sign3A_11 = arith.extui %sign3A_10 : i1 to i32
    %sign3A_12 = arith.constant 0 : i32
    %sign3A_13 = arith.cmpi slt, %jit3A, %sign3A_12 : i32
    %sign3A_14 = arith.extui %sign3A_13 : i1 to i32
    %sign3A_15 = arith.subi %sign3A_11, %sign3A_14 : i32
    %ne3A = arith.cmpi ne, %sign3A_8, %sign3A_15 : i32
    %rem3A = arith.remsi %add3A, %jit3A : i32
    %ne3A_16 = arith.constant 0 : i32
    %ne3A_17 = arith.cmpi ne, %rem3A, %ne3A_16 : i32
    %and3A = arith.andi %ne3A, %ne3A_17 : i1
    %sub3A = arith.constant 1 : i32
    %sub3A_18 = arith.subi %div3A, %sub3A : i32
    %select_n3A = arith.select %and3A, %sub3A_18, %div3A : i32
    "tpu.region"() ({
      %run_scoped3A_49 = tpu.sem_alloc : memref<!tpu.dma_semaphore, #tpu.memory_space<semaphore_mem>>
      %dma_start3A_50 = arith.constant 0 : i32
      %dma_start3A_51 = arith.constant 0 : i32
      %dma_start3A_52 = tpu.memref_slice %arg3[%add3A, %dma_start3A_50, %dma_start3A_51] : memref<32x32x32xi32, #tpu.memory_space<hbm>> -> memref<1x32x32xi32, #tpu.memory_space<hbm>>
      %dma_start3A_53 = tpu.memref_squeeze %dma_start3A_52 : memref<1x32x32xi32, #tpu.memory_space<hbm>> -> memref<32x32xi32, #tpu.memory_space<hbm>>
      %dma_start3A_54 = arith.constant 0 : i32
      %dma_start3A_55 = arith.constant 0 : i32
      %dma_start3A_56 = tpu.memref_slice %arg3[%add3A, %dma_start3A_54, %dma_start3A_55] : memref<32x32x32xi32, #tpu.memory_space<hbm>> -> memref<1x32x32xi32, #tpu.memory_space<hbm>>
      %dma_start3A_57 = tpu.memref_squeeze %dma_start3A_56 : memref<1x32x32xi32, #tpu.memory_space<hbm>> -> memref<32x32xi32, #tpu.memory_space<hbm>>
      tpu.enqueue_dma source(%dma_start3A_57 : memref<32x32xi32, #tpu.memory_space<hbm>>) target(%arg8 : memref<32x32xi32, #tpu.memory_space<vmem>>) target_semaphore(%run_scoped3A_49 : memref<!tpu.dma_semaphore, #tpu.memory_space<semaphore_mem>>)
      %dma_wait3A_58 = arith.constant 0 : i32
      %dma_wait3A_59 = arith.constant 0 : i32
      %dma_wait3A_60 = tpu.memref_slice %arg3[%add3A, %dma_wait3A_58, %dma_wait3A_59] : memref<32x32x32xi32, #tpu.memory_space<hbm>> -> memref<1x32x32xi32, #tpu.memory_space<hbm>>
      %dma_wait3A_61 = tpu.memref_squeeze %dma_wait3A_60 : memref<1x32x32xi32, #tpu.memory_space<hbm>> -> memref<32x32xi32, #tpu.memory_space<hbm>>
      %dma_wait3A_62 = arith.constant 0 : i32
      %dma_wait3A_63 = arith.constant 0 : i32
      %dma_wait3A_64 = tpu.memref_slice %arg3[%add3A, %dma_wait3A_62, %dma_wait3A_63] : memref<32x32x32xi32, #tpu.memory_space<hbm>> -> memref<1x32x32xi32, #tpu.memory_space<hbm>>
      %dma_wait3A_65 = tpu.memref_squeeze %dma_wait3A_64 : memref<1x32x32xi32, #tpu.memory_space<hbm>> -> memref<32x32xi32, #tpu.memory_space<hbm>>
      tpu.wait_dma2 semaphore(%run_scoped3A_49 : memref<!tpu.dma_semaphore, #tpu.memory_space<semaphore_mem>>) src(%dma_wait3A_65 : memref<32x32xi32, #tpu.memory_space<hbm>>) dst(%arg8 : memref<32x32xi32, #tpu.memory_space<vmem>>)
      tpu.yield
    }) : () -> ()
    %mul3A_19 = arith.constant 8 : i32
    %mul3A_20 = arith.muli %add3A, %mul3A_19 : i32
    "tpu.region"() ({
      %run_scoped3A_49 = tpu.sem_alloc : memref<!tpu.dma_semaphore, #tpu.memory_space<semaphore_mem>>
      %dma_start3A_50 = arith.constant 0 : i32
      %dma_start3A_51 = arith.constant 0 : i32
      %dma_start3A_52 = tpu.memref_slice %arg4[%dma_start3A_50, %mul3A_20, %dma_start3A_51] : memref<6x256x128xf32, #tpu.memory_space<hbm>> -> memref<6x8x128xf32, #tpu.memory_space<hbm>>
      %dma_start3A_53 = arith.constant 0 : i32
      %dma_start3A_54 = arith.constant 0 : i32
      %dma_start3A_55 = tpu.memref_slice %arg4[%dma_start3A_53, %mul3A_20, %dma_start3A_54] : memref<6x256x128xf32, #tpu.memory_space<hbm>> -> memref<6x8x128xf32, #tpu.memory_space<hbm>>
      tpu.enqueue_dma source(%dma_start3A_55 : memref<6x8x128xf32, #tpu.memory_space<hbm>>) target(%arg9 : memref<6x8x128xf32, #tpu.memory_space<vmem>>) target_semaphore(%run_scoped3A_49 : memref<!tpu.dma_semaphore, #tpu.memory_space<semaphore_mem>>)
      %dma_wait3A_56 = arith.constant 0 : i32
      %dma_wait3A_57 = arith.constant 0 : i32
      %dma_wait3A_58 = tpu.memref_slice %arg4[%dma_wait3A_56, %mul3A_20, %dma_wait3A_57] : memref<6x256x128xf32, #tpu.memory_space<hbm>> -> memref<6x8x128xf32, #tpu.memory_space<hbm>>
      %dma_wait3A_59 = arith.constant 0 : i32
      %dma_wait3A_60 = arith.constant 0 : i32
      %dma_wait3A_61 = tpu.memref_slice %arg4[%dma_wait3A_59, %mul3A_20, %dma_wait3A_60] : memref<6x256x128xf32, #tpu.memory_space<hbm>> -> memref<6x8x128xf32, #tpu.memory_space<hbm>>
      tpu.wait_dma2 semaphore(%run_scoped3A_49 : memref<!tpu.dma_semaphore, #tpu.memory_space<semaphore_mem>>) src(%dma_wait3A_61 : memref<6x8x128xf32, #tpu.memory_space<hbm>>) dst(%arg9 : memref<6x8x128xf32, #tpu.memory_space<vmem>>)
      tpu.yield
    }) : () -> ()
    "tpu.region"() ({
      %run_scoped3A_49 = tpu.sem_alloc : memref<!tpu.dma_semaphore, #tpu.memory_space<semaphore_mem>>
      %dma_start3A_50 = arith.constant 0 : i32
      %dma_start3A_51 = arith.constant 0 : i32
      %dma_start3A_52 = tpu.memref_slice %arg10[%dma_start3A_50, %dma_start3A_51] : memref<6x1024xf32, #tpu.memory_space<vmem>> -> memref<5x1024xf32, #tpu.memory_space<vmem>>
      %dma_start3A_53 = arith.constant 0 : i32
      %dma_start3A_54 = arith.constant 0 : i32
      %dma_start3A_55 = tpu.memref_slice %arg10[%dma_start3A_53, %dma_start3A_54] : memref<6x1024xf32, #tpu.memory_space<vmem>> -> memref<5x1024xf32, #tpu.memory_space<vmem>>
      tpu.enqueue_dma source(%arg5 : memref<5x1024xf32, #tpu.memory_space<hbm>>) target(%dma_start3A_55 : memref<5x1024xf32, #tpu.memory_space<vmem>>) target_semaphore(%run_scoped3A_49 : memref<!tpu.dma_semaphore, #tpu.memory_space<semaphore_mem>>)
      %dma_wait3A_56 = arith.constant 0 : i32
      %dma_wait3A_57 = arith.constant 0 : i32
      %dma_wait3A_58 = tpu.memref_slice %arg10[%dma_wait3A_56, %dma_wait3A_57] : memref<6x1024xf32, #tpu.memory_space<vmem>> -> memref<5x1024xf32, #tpu.memory_space<vmem>>
      %dma_wait3A_59 = arith.constant 0 : i32
      %dma_wait3A_60 = arith.constant 0 : i32
      %dma_wait3A_61 = tpu.memref_slice %arg10[%dma_wait3A_59, %dma_wait3A_60] : memref<6x1024xf32, #tpu.memory_space<vmem>> -> memref<5x1024xf32, #tpu.memory_space<vmem>>
      tpu.wait_dma2 semaphore(%run_scoped3A_49 : memref<!tpu.dma_semaphore, #tpu.memory_space<semaphore_mem>>) src(%arg5 : memref<5x1024xf32, #tpu.memory_space<hbm>>) dst(%dma_wait3A_61 : memref<5x1024xf32, #tpu.memory_space<vmem>>)
      tpu.yield
    }) : () -> ()
    %run_scoped3A = arith.constant 5 : i32
    "tpu.region"() ({
      %run_scoped3A_49 = tpu.sem_alloc : memref<!tpu.dma_semaphore, #tpu.memory_space<semaphore_mem>>
      %dma_start3A_50 = arith.constant 0 : i32
      %dma_start3A_51 = tpu.memref_slice %arg10[%run_scoped3A, %dma_start3A_50] : memref<6x1024xf32, #tpu.memory_space<vmem>> -> memref<1x1024xf32, #tpu.memory_space<vmem>>
      %dma_start3A_52 = tpu.memref_squeeze %dma_start3A_51 : memref<1x1024xf32, #tpu.memory_space<vmem>> -> memref<1024xf32, #tpu.memory_space<vmem>>
      %dma_start3A_53 = arith.constant 0 : i32
      %dma_start3A_54 = tpu.memref_slice %arg6[%select_n3A, %dma_start3A_53] : memref<16x1024xf32, #tpu.memory_space<hbm>> -> memref<1x1024xf32, #tpu.memory_space<hbm>>
      %dma_start3A_55 = tpu.memref_squeeze %dma_start3A_54 : memref<1x1024xf32, #tpu.memory_space<hbm>> -> memref<1024xf32, #tpu.memory_space<hbm>>
      %dma_start3A_56 = arith.constant 0 : i32
      %dma_start3A_57 = tpu.memref_slice %arg10[%run_scoped3A, %dma_start3A_56] : memref<6x1024xf32, #tpu.memory_space<vmem>> -> memref<1x1024xf32, #tpu.memory_space<vmem>>
      %dma_start3A_58 = tpu.memref_squeeze %dma_start3A_57 : memref<1x1024xf32, #tpu.memory_space<vmem>> -> memref<1024xf32, #tpu.memory_space<vmem>>
      %dma_start3A_59 = arith.constant 0 : i32
      %dma_start3A_60 = tpu.memref_slice %arg6[%select_n3A, %dma_start3A_59] : memref<16x1024xf32, #tpu.memory_space<hbm>> -> memref<1x1024xf32, #tpu.memory_space<hbm>>
      %dma_start3A_61 = tpu.memref_squeeze %dma_start3A_60 : memref<1x1024xf32, #tpu.memory_space<hbm>> -> memref<1024xf32, #tpu.memory_space<hbm>>
      tpu.enqueue_dma source(%dma_start3A_61 : memref<1024xf32, #tpu.memory_space<hbm>>) target(%dma_start3A_58 : memref<1024xf32, #tpu.memory_space<vmem>>) target_semaphore(%run_scoped3A_49 : memref<!tpu.dma_semaphore, #tpu.memory_space<semaphore_mem>>)
      %dma_wait3A_62 = arith.constant 0 : i32
      %dma_wait3A_63 = tpu.memref_slice %arg10[%run_scoped3A, %dma_wait3A_62] : memref<6x1024xf32, #tpu.memory_space<vmem>> -> memref<1x1024xf32, #tpu.memory_space<vmem>>
      %dma_wait3A_64 = tpu.memref_squeeze %dma_wait3A_63 : memref<1x1024xf32, #tpu.memory_space<vmem>> -> memref<1024xf32, #tpu.memory_space<vmem>>
      %dma_wait3A_65 = arith.constant 0 : i32
      %dma_wait3A_66 = tpu.memref_slice %arg6[%select_n3A, %dma_wait3A_65] : memref<16x1024xf32, #tpu.memory_space<hbm>> -> memref<1x1024xf32, #tpu.memory_space<hbm>>
      %dma_wait3A_67 = tpu.memref_squeeze %dma_wait3A_66 : memref<1x1024xf32, #tpu.memory_space<hbm>> -> memref<1024xf32, #tpu.memory_space<hbm>>
      %dma_wait3A_68 = arith.constant 0 : i32
      %dma_wait3A_69 = tpu.memref_slice %arg10[%run_scoped3A, %dma_wait3A_68] : memref<6x1024xf32, #tpu.memory_space<vmem>> -> memref<1x1024xf32, #tpu.memory_space<vmem>>
      %dma_wait3A_70 = tpu.memref_squeeze %dma_wait3A_69 : memref<1x1024xf32, #tpu.memory_space<vmem>> -> memref<1024xf32, #tpu.memory_space<vmem>>
      %dma_wait3A_71 = arith.constant 0 : i32
      %dma_wait3A_72 = tpu.memref_slice %arg6[%select_n3A, %dma_wait3A_71] : memref<16x1024xf32, #tpu.memory_space<hbm>> -> memref<1x1024xf32, #tpu.memory_space<hbm>>
      %dma_wait3A_73 = tpu.memref_squeeze %dma_wait3A_72 : memref<1x1024xf32, #tpu.memory_space<hbm>> -> memref<1024xf32, #tpu.memory_space<hbm>>
      tpu.wait_dma2 semaphore(%run_scoped3A_49 : memref<!tpu.dma_semaphore, #tpu.memory_space<semaphore_mem>>) src(%dma_wait3A_73 : memref<1024xf32, #tpu.memory_space<hbm>>) dst(%dma_wait3A_70 : memref<1024xf32, #tpu.memory_space<vmem>>)
      tpu.yield
    }) : () -> ()
    %dma_start3A = arith.constant 0 : i32
    %dma_start3A_21 = arith.constant 0 : i32
    %dma_start3A_22 = arith.constant 0 : i32
    %dma_start3A_23 = arith.constant 0 : i32
    %dma_start3A_24 = tpu.memref_slice %arg11[%dma_start3A_21, %dma_start3A_22, %dma_start3A_23] : memref<2x32x1024xf32, #tpu.memory_space<vmem>> -> memref<1x32x1024xf32, #tpu.memory_space<vmem>>
    %dma_start3A_25 = tpu.memref_squeeze %dma_start3A_24 : memref<1x32x1024xf32, #tpu.memory_space<vmem>> -> memref<32x1024xf32, #tpu.memory_space<vmem>>
    %dma_start3A_26 = arith.constant 0 : i32
    %dma_start3A_27 = tpu.memref_slice %arg8[%dma_start3A, %dma_start3A_26] : memref<32x32xi32, #tpu.memory_space<vmem>> -> memref<1x32xi32, #tpu.memory_space<vmem>>
    %dma_start3A_28 = tpu.memref_squeeze %dma_start3A_27 : memref<1x32xi32, #tpu.memory_space<vmem>> -> memref<32xi32, #tpu.memory_space<vmem>>
    %dma_start3A_29 = arith.constant 0 : i32
    %dma_start3A_30 = arith.constant 0 : i32
    %dma_start3A_31 = tpu.memref_slice %arg2[%dma_start3A_29, %dma_start3A_30] : memref<973x1024xf32, #tpu.memory_space<hbm>> -> memref<973x1024xf32, #tpu.memory_space<hbm>>
    tpu.enqueue_indirect_dma source(%dma_start3A_31 : memref<973x1024xf32, #tpu.memory_space<hbm>>) target(%dma_start3A_25 : memref<32x1024xf32, #tpu.memory_space<vmem>>) offsets(%dma_start3A_28 : memref<32xi32, #tpu.memory_space<vmem>>) semaphore(%arg12 : memref<!tpu.dma_semaphore, #tpu.memory_space<semaphore_mem>>)
    %scan3A = arith.constant 0 : i32
    %scan3A_32 = arith.constant 0 : i32
    %scan3A_33 = arith.constant 32 : i32
    %scan3A_34 = arith.addi %scan3A_32, %scan3A_33 : i32
    %scan3A_35 = arith.constant 1 : i32
    scf.for %scan3A_49 = %scan3A_32 to %scan3A_34 step %scan3A_35  : i32 {
      %rem3A_50 = arith.constant 2 : i32
      %rem3A_51 = arith.remsi %scan3A_49, %rem3A_50 : i32
      %sub3A_52 = arith.constant 1 : i32
      %sub3A_53 = arith.subi %sub3A_52, %rem3A_51 : i32
      %gt3A = arith.constant 0 : i32
      %gt3A_54 = arith.cmpi sgt, %scan3A_49, %gt3A : i32
      %convert_element_type3A = arith.extui %gt3A_54 : i1 to i32
      %cond3A = arith.constant 0 : i32
      %cond3A_55 = arith.cmpi ne, %convert_element_type3A, %cond3A : i32
      scf.if %cond3A_55 {
        %dma_wait3A_91 = arith.constant 0 : i32
        %dma_wait3A_92 = arith.constant 0 : i32
        %dma_wait3A_93 = tpu.memref_slice %arg11[%sub3A_53, %dma_wait3A_91, %dma_wait3A_92] : memref<2x32x1024xf32, #tpu.memory_space<vmem>> -> memref<1x32x1024xf32, #tpu.memory_space<vmem>>
        %dma_wait3A_94 = tpu.memref_squeeze %dma_wait3A_93 : memref<1x32x1024xf32, #tpu.memory_space<vmem>> -> memref<32x1024xf32, #tpu.memory_space<vmem>>
        %dma_wait3A_95 = arith.constant 0 : i32
        %dma_wait3A_96 = tpu.memref_slice %arg7[%mul3A_2, %dma_wait3A_95] : memref<32768x1024xf32, #tpu.memory_space<hbm>> -> memref<32x1024xf32, #tpu.memory_space<hbm>>
        %dma_wait3A_97 = arith.constant 0 : i32
        %dma_wait3A_98 = tpu.memref_slice %arg7[%mul3A_2, %dma_wait3A_97] : memref<32768x1024xf32, #tpu.memory_space<hbm>> -> memref<32x1024xf32, #tpu.memory_space<hbm>>
        %dma_wait3A_99 = arith.constant 0 : i32
        %dma_wait3A_100 = arith.constant 0 : i32
        %dma_wait3A_101 = tpu.memref_slice %arg11[%sub3A_53, %dma_wait3A_99, %dma_wait3A_100] : memref<2x32x1024xf32, #tpu.memory_space<vmem>> -> memref<1x32x1024xf32, #tpu.memory_space<vmem>>
        %dma_wait3A_102 = tpu.memref_squeeze %dma_wait3A_101 : memref<1x32x1024xf32, #tpu.memory_space<vmem>> -> memref<32x1024xf32, #tpu.memory_space<vmem>>
        tpu.wait_dma2 semaphore(%arg13 : memref<!tpu.dma_semaphore, #tpu.memory_space<semaphore_mem>>) src(%dma_wait3A_102 : memref<32x1024xf32, #tpu.memory_space<vmem>>) dst(%dma_wait3A_98 : memref<32x1024xf32, #tpu.memory_space<hbm>>)
      } else {
      }
      %add3A_56 = arith.constant 1 : i32
      %add3A_57 = arith.addi %scan3A_49, %add3A_56 : i32
      %lt3A = arith.constant 32 : i32
      %lt3A_58 = arith.cmpi slt, %add3A_57, %lt3A : i32
      %convert_element_type3A_59 = arith.extui %lt3A_58 : i1 to i32
      %cond3A_60 = arith.constant 0 : i32
      %cond3A_61 = arith.cmpi ne, %convert_element_type3A_59, %cond3A_60 : i32
      scf.if %cond3A_61 {
        %add3A_91 = arith.constant 1 : i32
        %add3A_92 = arith.addi %scan3A_49, %add3A_91 : i32
        %dma_start3A_93 = arith.constant 0 : i32
        %dma_start3A_94 = arith.constant 0 : i32
        %dma_start3A_95 = tpu.memref_slice %arg11[%sub3A_53, %dma_start3A_93, %dma_start3A_94] : memref<2x32x1024xf32, #tpu.memory_space<vmem>> -> memref<1x32x1024xf32, #tpu.memory_space<vmem>>
        %dma_start3A_96 = tpu.memref_squeeze %dma_start3A_95 : memref<1x32x1024xf32, #tpu.memory_space<vmem>> -> memref<32x1024xf32, #tpu.memory_space<vmem>>
        %dma_start3A_97 = arith.constant 0 : i32
        %dma_start3A_98 = tpu.memref_slice %arg8[%add3A_92, %dma_start3A_97] : memref<32x32xi32, #tpu.memory_space<vmem>> -> memref<1x32xi32, #tpu.memory_space<vmem>>
        %dma_start3A_99 = tpu.memref_squeeze %dma_start3A_98 : memref<1x32xi32, #tpu.memory_space<vmem>> -> memref<32xi32, #tpu.memory_space<vmem>>
        %dma_start3A_100 = arith.constant 0 : i32
        %dma_start3A_101 = arith.constant 0 : i32
        %dma_start3A_102 = tpu.memref_slice %arg2[%dma_start3A_100, %dma_start3A_101] : memref<973x1024xf32, #tpu.memory_space<hbm>> -> memref<973x1024xf32, #tpu.memory_space<hbm>>
        tpu.enqueue_indirect_dma source(%dma_start3A_102 : memref<973x1024xf32, #tpu.memory_space<hbm>>) target(%dma_start3A_96 : memref<32x1024xf32, #tpu.memory_space<vmem>>) offsets(%dma_start3A_99 : memref<32xi32, #tpu.memory_space<vmem>>) semaphore(%arg12 : memref<!tpu.dma_semaphore, #tpu.memory_space<semaphore_mem>>)
      } else {
      }
      %dma_wait3A_62 = arith.constant 0 : i32
      %dma_wait3A_63 = arith.constant 0 : i32
      %dma_wait3A_64 = tpu.memref_slice %arg11[%rem3A_51, %dma_wait3A_62, %dma_wait3A_63] : memref<2x32x1024xf32, #tpu.memory_space<vmem>> -> memref<1x32x1024xf32, #tpu.memory_space<vmem>>
      %dma_wait3A_65 = tpu.memref_squeeze %dma_wait3A_64 : memref<1x32x1024xf32, #tpu.memory_space<vmem>> -> memref<32x1024xf32, #tpu.memory_space<vmem>>
      %dma_wait3A_66 = arith.constant 0 : i32
      %dma_wait3A_67 = arith.constant 0 : i32
      %dma_wait3A_68 = tpu.memref_slice %arg2[%dma_wait3A_66, %dma_wait3A_67] : memref<973x1024xf32, #tpu.memory_space<hbm>> -> memref<32x1024xf32, #tpu.memory_space<hbm>>
      %dma_wait3A_69 = arith.constant 0 : i32
      %dma_wait3A_70 = arith.constant 0 : i32
      %dma_wait3A_71 = tpu.memref_slice %arg11[%rem3A_51, %dma_wait3A_69, %dma_wait3A_70] : memref<2x32x1024xf32, #tpu.memory_space<vmem>> -> memref<1x32x1024xf32, #tpu.memory_space<vmem>>
      %dma_wait3A_72 = tpu.memref_squeeze %dma_wait3A_71 : memref<1x32x1024xf32, #tpu.memory_space<vmem>> -> memref<32x1024xf32, #tpu.memory_space<vmem>>
      %dma_wait3A_73 = arith.constant 0 : i32
      %dma_wait3A_74 = arith.constant 0 : i32
      %dma_wait3A_75 = tpu.memref_slice %arg2[%dma_wait3A_73, %dma_wait3A_74] : memref<973x1024xf32, #tpu.memory_space<hbm>> -> memref<32x1024xf32, #tpu.memory_space<hbm>>
      tpu.wait_dma2 semaphore(%arg12 : memref<!tpu.dma_semaphore, #tpu.memory_space<semaphore_mem>>) src(%dma_wait3A_75 : memref<32x1024xf32, #tpu.memory_space<hbm>>) dst(%dma_wait3A_72 : memref<32x1024xf32, #tpu.memory_space<vmem>>)
      %mul3A_76 = arith.constant 32 : i32
      %mul3A_77 = arith.muli %scan3A_49, %mul3A_76 : i32
      %add3A_78 = arith.addi %mul3A_2, %mul3A_77 : i32
      %dma_start3A_79 = arith.constant 0 : i32
      %dma_start3A_80 = arith.constant 0 : i32
      %dma_start3A_81 = tpu.memref_slice %arg11[%rem3A_51, %dma_start3A_79, %dma_start3A_80] : memref<2x32x1024xf32, #tpu.memory_space<vmem>> -> memref<1x32x1024xf32, #tpu.memory_space<vmem>>
      %dma_start3A_82 = tpu.memref_squeeze %dma_start3A_81 : memref<1x32x1024xf32, #tpu.memory_space<vmem>> -> memref<32x1024xf32, #tpu.memory_space<vmem>>
      %dma_start3A_83 = arith.constant 0 : i32
      %dma_start3A_84 = tpu.memref_slice %arg7[%add3A_78, %dma_start3A_83] : memref<32768x1024xf32, #tpu.memory_space<hbm>> -> memref<32x1024xf32, #tpu.memory_space<hbm>>
      %dma_start3A_85 = arith.constant 0 : i32
      %dma_start3A_86 = tpu.memref_slice %arg7[%add3A_78, %dma_start3A_85] : memref<32768x1024xf32, #tpu.memory_space<hbm>> -> memref<32x1024xf32, #tpu.memory_space<hbm>>
      %dma_start3A_87 = arith.constant 0 : i32
      %dma_start3A_88 = arith.constant 0 : i32
      %dma_start3A_89 = tpu.memref_slice %arg11[%rem3A_51, %dma_start3A_87, %dma_start3A_88] : memref<2x32x1024xf32, #tpu.memory_space<vmem>> -> memref<1x32x1024xf32, #tpu.memory_space<vmem>>
      %dma_start3A_90 = tpu.memref_squeeze %dma_start3A_89 : memref<1x32x1024xf32, #tpu.memory_space<vmem>> -> memref<32x1024xf32, #tpu.memory_space<vmem>>
      tpu.enqueue_dma source(%dma_start3A_90 : memref<32x1024xf32, #tpu.memory_space<vmem>>) target(%dma_start3A_86 : memref<32x1024xf32, #tpu.memory_space<hbm>>) target_semaphore(%arg13 : memref<!tpu.dma_semaphore, #tpu.memory_space<semaphore_mem>>)
    }
    %scan3A_36 = arith.constant 32 : i32
    %dma_wait3A = arith.constant 0 : i32
    %dma_wait3A_37 = arith.constant 0 : i32
    %dma_wait3A_38 = arith.constant 0 : i32
    %dma_wait3A_39 = tpu.memref_slice %arg11[%dma_wait3A, %dma_wait3A_37, %dma_wait3A_38] : memref<2x32x1024xf32, #tpu.memory_space<vmem>> -> memref<1x32x1024xf32, #tpu.memory_space<vmem>>
    %dma_wait3A_40 = tpu.memref_squeeze %dma_wait3A_39 : memref<1x32x1024xf32, #tpu.memory_space<vmem>> -> memref<32x1024xf32, #tpu.memory_space<vmem>>
    %dma_wait3A_41 = arith.constant 0 : i32
    %dma_wait3A_42 = tpu.memref_slice %arg7[%mul3A_2, %dma_wait3A_41] : memref<32768x1024xf32, #tpu.memory_space<hbm>> -> memref<32x1024xf32, #tpu.memory_space<hbm>>
    %dma_wait3A_43 = arith.constant 0 : i32
    %dma_wait3A_44 = tpu.memref_slice %arg7[%mul3A_2, %dma_wait3A_43] : memref<32768x1024xf32, #tpu.memory_space<hbm>> -> memref<32x1024xf32, #tpu.memory_space<hbm>>
    %dma_wait3A_45 = arith.constant 0 : i32
    %dma_wait3A_46 = arith.constant 0 : i32
    %dma_wait3A_47 = tpu.memref_slice %arg11[%dma_wait3A, %dma_wait3A_45, %dma_wait3A_46] : memref<2x32x1024xf32, #tpu.memory_space<vmem>> -> memref<1x32x1024xf32, #tpu.memory_space<vmem>>
    %dma_wait3A_48 = tpu.memref_squeeze %dma_wait3A_47 : memref<1x32x1024xf32, #tpu.memory_space<vmem>> -> memref<32x1024xf32, #tpu.memory_space<vmem>>
    tpu.wait_dma2 semaphore(%arg13 : memref<!tpu.dma_semaphore, #tpu.memory_space<semaphore_mem>>) src(%dma_wait3A_48 : memref<32x1024xf32, #tpu.memory_space<vmem>>) dst(%dma_wait3A_44 : memref<32x1024xf32, #tpu.memory_space<hbm>>)
    return
  }
}

module attributes {stable_mosaic.version = 14 : i64} {
  func.func @_coef_kernel(%arg0: memref<16x2048xi32, #tpu.memory_space<vmem>>, %arg1: memref<16x2048xi32, #tpu.memory_space<vmem>>, %arg2: memref<16x2048xi32, #tpu.memory_space<vmem>>, %arg3: memref<16x2048xf32, #tpu.memory_space<vmem>>, %arg4: memref<16x2048xf32, #tpu.memory_space<vmem>>, %arg5: memref<16x2048xf32, #tpu.memory_space<vmem>>, %arg6: memref<16x2048xf32, #tpu.memory_space<vmem>>, %arg7: memref<16x2048xf32, #tpu.memory_space<vmem>>, %arg8: memref<16x2048xi32, #tpu.memory_space<vmem>>, %arg9: memref<16x2048xi32, #tpu.memory_space<vmem>>, %arg10: memref<16x2048xi32, #tpu.memory_space<vmem>>, %arg11: memref<6x16x2048xf32, #tpu.memory_space<vmem>>) attributes {dimension_semantics = [], scalar_prefetch = 0 : i64, scratch_operands = 0 : i64, tpu.core_type = #tpu.core_type<tc>} {
    %get3A = arith.constant 0 : index
    %get3A_0 = arith.constant 0 : index
    %get3A_1 = vector.load %arg8[%get3A, %get3A_0] : memref<16x2048xi32, #tpu.memory_space<vmem>>, vector<16x2048xi32>
    %eq3A = arith.constant 0 : i32
    %eq3A_2 = vector.broadcast %eq3A : i32 to vector<16x2048xi32>
    %eq3A_3 = arith.cmpi eq, %get3A_1, %eq3A_2 : vector<16x2048xi32>
    %get3A_4 = arith.constant 0 : index
    %get3A_5 = arith.constant 0 : index
    %get3A_6 = vector.load %arg9[%get3A_4, %get3A_5] : memref<16x2048xi32, #tpu.memory_space<vmem>>, vector<16x2048xi32>
    %ne3A = arith.constant 0 : i32
    %ne3A_7 = vector.broadcast %ne3A : i32 to vector<16x2048xi32>
    %ne3A_8 = arith.cmpi ne, %get3A_6, %ne3A_7 : vector<16x2048xi32>
    %iota3A = tpu.iota {dimensions = array<i32: 0>} : vector<16x2048xi32>
    %get3A_9 = arith.constant 0 : index
    %get3A_10 = arith.constant 0 : index
    %get3A_11 = vector.load %arg0[%get3A_9, %get3A_10] : memref<16x2048xi32, #tpu.memory_space<vmem>>, vector<16x2048xi32>
    %mul3A = arith.constant 29 : i32
    %mul3A_12 = vector.broadcast %mul3A : i32 to vector<16x2048xi32>
    %mul3A_13 = arith.muli %get3A_11, %mul3A_12 : vector<16x2048xi32>
    %get3A_14 = arith.constant 0 : index
    %get3A_15 = arith.constant 0 : index
    %get3A_16 = vector.load %arg1[%get3A_14, %get3A_15] : memref<16x2048xi32, #tpu.memory_space<vmem>>, vector<16x2048xi32>
    %mul3A_17 = arith.constant 4 : i32
    %mul3A_18 = vector.broadcast %mul3A_17 : i32 to vector<16x2048xi32>
    %mul3A_19 = arith.muli %get3A_16, %mul3A_18 : vector<16x2048xi32>
    %add3A = arith.addi %mul3A_13, %mul3A_19 : vector<16x2048xi32>
    %get3A_20 = arith.constant 0 : index
    %get3A_21 = arith.constant 0 : index
    %get3A_22 = vector.load %arg2[%get3A_20, %get3A_21] : memref<16x2048xi32, #tpu.memory_space<vmem>>, vector<16x2048xi32>
    %add3A_23 = arith.addi %add3A, %get3A_22 : vector<16x2048xi32>
    %add3A_24 = arith.constant 957 : i32
    %add3A_25 = vector.broadcast %add3A_24 : i32 to vector<16x2048xi32>
    %add3A_26 = arith.addi %add3A_25, %iota3A : vector<16x2048xi32>
    %jit3A = arith.constant 956 : i32
    %broadcast_in_dim3A = vector.broadcast %jit3A : i32 to vector<16x2048xi32>
    %select_n3A = arith.select %ne3A_8, %add3A_26, %broadcast_in_dim3A : vector<16x2048xi1>, vector<16x2048xi32>
    %select_n3A_27 = arith.select %eq3A_3, %add3A_23, %select_n3A : vector<16x2048xi1>, vector<16x2048xi32>
    %swap3A = arith.constant 0 : index
    %swap3A_28 = arith.constant 0 : index
    %swap3A_29 = vector.load %arg10[%swap3A, %swap3A_28] : memref<16x2048xi32, #tpu.memory_space<vmem>>, vector<16x2048xi32>
    tpu.vector_store %arg10[%swap3A, %swap3A_28], %select_n3A_27 {strides = array<i32>} : memref<16x2048xi32, #tpu.memory_space<vmem>>, vector<16x2048xi32>,
    %broadcast_in_dim3A_30 = arith.constant 0.000000e+00 : f32
    %broadcast_in_dim3A_31 = vector.broadcast %broadcast_in_dim3A_30 : f32 to vector<16x2048xf32>
    %get3A_32 = arith.constant 0 : index
    %get3A_33 = arith.constant 0 : index
    %get3A_34 = vector.load %arg3[%get3A_32, %get3A_33] : memref<16x2048xf32, #tpu.memory_space<vmem>>, vector<16x2048xf32>
    %select_n3A_35 = arith.select %eq3A_3, %get3A_34, %broadcast_in_dim3A_31 : vector<16x2048xi1>, vector<16x2048xf32>
    %swap3A_36 = arith.constant 0 : index
    %swap3A_37 = arith.constant 0 : index
    %swap3A_38 = arith.constant 0 : index
    %swap3A_39 = vector.load %arg11[%swap3A_36, %swap3A_37, %swap3A_38] : memref<6x16x2048xf32, #tpu.memory_space<vmem>>, vector<1x16x2048xf32>
    %swap3A_40 = vector.shape_cast %swap3A_39 : vector<1x16x2048xf32> to vector<16x2048xf32>
    %swap3A_41 = vector.shape_cast %select_n3A_35 : vector<16x2048xf32> to vector<1x16x2048xf32>
    tpu.vector_store %arg11[%swap3A_36, %swap3A_37, %swap3A_38], %swap3A_41 {strides = array<i32>} : memref<6x16x2048xf32, #tpu.memory_space<vmem>>, vector<1x16x2048xf32>,
    %get3A_42 = arith.constant 0 : index
    %get3A_43 = arith.constant 0 : index
    %get3A_44 = vector.load %arg4[%get3A_42, %get3A_43] : memref<16x2048xf32, #tpu.memory_space<vmem>>, vector<16x2048xf32>
    %select_n3A_45 = arith.select %eq3A_3, %get3A_44, %broadcast_in_dim3A_31 : vector<16x2048xi1>, vector<16x2048xf32>
    %swap3A_46 = arith.constant 1 : index
    %swap3A_47 = arith.constant 0 : index
    %swap3A_48 = arith.constant 0 : index
    %swap3A_49 = vector.load %arg11[%swap3A_46, %swap3A_47, %swap3A_48] : memref<6x16x2048xf32, #tpu.memory_space<vmem>>, vector<1x16x2048xf32>
    %swap3A_50 = vector.shape_cast %swap3A_49 : vector<1x16x2048xf32> to vector<16x2048xf32>
    %swap3A_51 = vector.shape_cast %select_n3A_45 : vector<16x2048xf32> to vector<1x16x2048xf32>
    tpu.vector_store %arg11[%swap3A_46, %swap3A_47, %swap3A_48], %swap3A_51 {strides = array<i32>} : memref<6x16x2048xf32, #tpu.memory_space<vmem>>, vector<1x16x2048xf32>,
    %get3A_52 = arith.constant 0 : index
    %get3A_53 = arith.constant 0 : index
    %get3A_54 = vector.load %arg5[%get3A_52, %get3A_53] : memref<16x2048xf32, #tpu.memory_space<vmem>>, vector<16x2048xf32>
    %mul3A_55 = arith.constant 0.00555555569 : f32
    %mul3A_56 = vector.broadcast %mul3A_55 : f32 to vector<16x2048xf32>
    %mul3A_57 = arith.mulf %get3A_54, %mul3A_56 : vector<16x2048xf32>
    %eq3A_58 = arith.constant 0x7F800000 : f32
    %eq3A_59 = vector.broadcast %eq3A_58 : f32 to vector<16x2048xf32>
    %eq3A_60 = arith.cmpf oeq, %mul3A_57, %eq3A_59 : vector<16x2048xf32>
    %jit3A_61 = arith.constant 0.000000e+00 : f32
    %broadcast_in_dim3A_62 = vector.broadcast %jit3A_61 : f32 to vector<16x2048xf32>
    %select_n3A_63 = arith.select %eq3A_60, %broadcast_in_dim3A_62, %mul3A_57 : vector<16x2048xi1>, vector<16x2048xf32>
    %select_n3A_64 = arith.select %eq3A_3, %select_n3A_63, %broadcast_in_dim3A_31 : vector<16x2048xi1>, vector<16x2048xf32>
    %swap3A_65 = arith.constant 2 : index
    %swap3A_66 = arith.constant 0 : index
    %swap3A_67 = arith.constant 0 : index
    %swap3A_68 = vector.load %arg11[%swap3A_65, %swap3A_66, %swap3A_67] : memref<6x16x2048xf32, #tpu.memory_space<vmem>>, vector<1x16x2048xf32>
    %swap3A_69 = vector.shape_cast %swap3A_68 : vector<1x16x2048xf32> to vector<16x2048xf32>
    %swap3A_70 = vector.shape_cast %select_n3A_64 : vector<16x2048xf32> to vector<1x16x2048xf32>
    tpu.vector_store %arg11[%swap3A_65, %swap3A_66, %swap3A_67], %swap3A_70 {strides = array<i32>} : memref<6x16x2048xf32, #tpu.memory_space<vmem>>, vector<1x16x2048xf32>,
    %get3A_71 = arith.constant 0 : index
    %get3A_72 = arith.constant 0 : index
    %get3A_73 = vector.load %arg6[%get3A_71, %get3A_72] : memref<16x2048xf32, #tpu.memory_space<vmem>>, vector<16x2048xf32>
    %mul3A_74 = arith.constant 0.00555555569 : f32
    %mul3A_75 = vector.broadcast %mul3A_74 : f32 to vector<16x2048xf32>
    %mul3A_76 = arith.mulf %get3A_73, %mul3A_75 : vector<16x2048xf32>
    %eq3A_77 = arith.constant 0x7F800000 : f32
    %eq3A_78 = vector.broadcast %eq3A_77 : f32 to vector<16x2048xf32>
    %eq3A_79 = arith.cmpf oeq, %mul3A_76, %eq3A_78 : vector<16x2048xf32>
    %jit3A_80 = arith.constant 0.000000e+00 : f32
    %broadcast_in_dim3A_81 = vector.broadcast %jit3A_80 : f32 to vector<16x2048xf32>
    %select_n3A_82 = arith.select %eq3A_79, %broadcast_in_dim3A_81, %mul3A_76 : vector<16x2048xi1>, vector<16x2048xf32>
    %select_n3A_83 = arith.select %eq3A_3, %select_n3A_82, %broadcast_in_dim3A_31 : vector<16x2048xi1>, vector<16x2048xf32>
    %swap3A_84 = arith.constant 3 : index
    %swap3A_85 = arith.constant 0 : index
    %swap3A_86 = arith.constant 0 : index
    %swap3A_87 = vector.load %arg11[%swap3A_84, %swap3A_85, %swap3A_86] : memref<6x16x2048xf32, #tpu.memory_space<vmem>>, vector<1x16x2048xf32>
    %swap3A_88 = vector.shape_cast %swap3A_87 : vector<1x16x2048xf32> to vector<16x2048xf32>
    %swap3A_89 = vector.shape_cast %select_n3A_83 : vector<16x2048xf32> to vector<1x16x2048xf32>
    tpu.vector_store %arg11[%swap3A_84, %swap3A_85, %swap3A_86], %swap3A_89 {strides = array<i32>} : memref<6x16x2048xf32, #tpu.memory_space<vmem>>, vector<1x16x2048xf32>,
    %get3A_90 = arith.constant 0 : index
    %get3A_91 = arith.constant 0 : index
    %get3A_92 = vector.load %arg7[%get3A_90, %get3A_91] : memref<16x2048xf32, #tpu.memory_space<vmem>>, vector<16x2048xf32>
    %mul3A_93 = arith.constant 0.00555555569 : f32
    %mul3A_94 = vector.broadcast %mul3A_93 : f32 to vector<16x2048xf32>
    %mul3A_95 = arith.mulf %get3A_92, %mul3A_94 : vector<16x2048xf32>
    %eq3A_96 = arith.constant 0x7F800000 : f32
    %eq3A_97 = vector.broadcast %eq3A_96 : f32 to vector<16x2048xf32>
    %eq3A_98 = arith.cmpf oeq, %mul3A_95, %eq3A_97 : vector<16x2048xf32>
    %jit3A_99 = arith.constant 0.000000e+00 : f32
    %broadcast_in_dim3A_100 = vector.broadcast %jit3A_99 : f32 to vector<16x2048xf32>
    %select_n3A_101 = arith.select %eq3A_98, %broadcast_in_dim3A_100, %mul3A_95 : vector<16x2048xi1>, vector<16x2048xf32>
    %select_n3A_102 = arith.select %eq3A_3, %select_n3A_101, %broadcast_in_dim3A_31 : vector<16x2048xi1>, vector<16x2048xf32>
    %swap3A_103 = arith.constant 4 : index
    %swap3A_104 = arith.constant 0 : index
    %swap3A_105 = arith.constant 0 : index
    %swap3A_106 = vector.load %arg11[%swap3A_103, %swap3A_104, %swap3A_105] : memref<6x16x2048xf32, #tpu.memory_space<vmem>>, vector<1x16x2048xf32>
    %swap3A_107 = vector.shape_cast %swap3A_106 : vector<1x16x2048xf32> to vector<16x2048xf32>
    %swap3A_108 = vector.shape_cast %select_n3A_102 : vector<16x2048xf32> to vector<1x16x2048xf32>
    tpu.vector_store %arg11[%swap3A_103, %swap3A_104, %swap3A_105], %swap3A_108 {strides = array<i32>} : memref<6x16x2048xf32, #tpu.memory_space<vmem>>, vector<1x16x2048xf32>,
    %jit3A_109 = arith.constant 1.000000e+00 : f32
    %jit3A_110 = arith.constant 0.000000e+00 : f32
    %broadcast_in_dim3A_111 = vector.broadcast %jit3A_109 : f32 to vector<16x2048xf32>
    %broadcast_in_dim3A_112 = vector.broadcast %jit3A_110 : f32 to vector<16x2048xf32>
    %select_n3A_113 = arith.select %ne3A_8, %broadcast_in_dim3A_111, %broadcast_in_dim3A_112 : vector<16x2048xi1>, vector<16x2048xf32>
    %select_n3A_114 = arith.select %eq3A_3, %select_n3A_113, %broadcast_in_dim3A_31 : vector<16x2048xi1>, vector<16x2048xf32>
    %swap3A_115 = arith.constant 5 : index
    %swap3A_116 = arith.constant 0 : index
    %swap3A_117 = arith.constant 0 : index
    %swap3A_118 = vector.load %arg11[%swap3A_115, %swap3A_116, %swap3A_117] : memref<6x16x2048xf32, #tpu.memory_space<vmem>>, vector<1x16x2048xf32>
    %swap3A_119 = vector.shape_cast %swap3A_118 : vector<1x16x2048xf32> to vector<16x2048xf32>
    %swap3A_120 = vector.shape_cast %select_n3A_114 : vector<16x2048xf32> to vector<1x16x2048xf32>
    tpu.vector_store %arg11[%swap3A_115, %swap3A_116, %swap3A_117], %swap3A_120 {strides = array<i32>} : memref<6x16x2048xf32, #tpu.memory_space<vmem>>, vector<1x16x2048xf32>,
    return
  }
}

module attributes {stable_mosaic.version = 14 : i64} {
  func.func @_prep_kernel(%arg0: memref<16x1xf32, #tpu.memory_space<vmem>>, %arg1: memref<32x1024xf32, #tpu.memory_space<vmem>>, %arg2: memref<9x1024xf32, #tpu.memory_space<vmem>>, %arg3: memref<7x1024xf32, #tpu.memory_space<vmem>>, %arg4: memref<4x1024xf32, #tpu.memory_space<vmem>>, %arg5: memref<1x1024xf32, #tpu.memory_space<vmem>>, %arg6: memref<1x1024xf32, #tpu.memory_space<vmem>>, %arg7: memref<3x1024xf32, #tpu.memory_space<vmem>>, %arg8: memref<1024x1024xf32, #tpu.memory_space<vmem>>, %arg9: memref<1x1024xf32, #tpu.memory_space<vmem>>, %arg10: memref<1024x1024xf32, #tpu.memory_space<vmem>>, %arg11: memref<1x1024xf32, #tpu.memory_space<vmem>>, %arg12: memref<973x1024xf32, #tpu.memory_space<vmem>>, %arg13: memref<5x1024xf32, #tpu.memory_space<vmem>>, %arg14: memref<16x1024xf32, #tpu.memory_space<vmem>>) attributes {dimension_semantics = [], scalar_prefetch = 0 : i64, scratch_operands = 0 : i64, tpu.core_type = #tpu.core_type<tc>} {
    %get3A = arith.constant 0 : index
    %get3A_0 = arith.constant 0 : index
    %get3A_1 = vector.load %arg0[%get3A, %get3A_0] : memref<16x1xf32, #tpu.memory_space<vmem>>, vector<16x1xf32>
    %broadcast_in_dim3A = arith.constant 0.000000e+00 : f32
    %broadcast_in_dim3A_2 = vector.broadcast %broadcast_in_dim3A : f32 to vector<1x1xf32>
    %concatenate3A = tpu.concatenate %get3A_1, %broadcast_in_dim3A_2 in 0 : vector<16x1xf32>, vector<1x1xf32> -> vector<17x1xf32>
    %log3A = arith.constant 1.000000e+04 : f32
    %log3A_3 = math.log %log3A : f32
    %neg3A = arith.constant 0.000000e+00 : f32
    %neg3A_4 = arith.subf %neg3A, %log3A_3 : f32
    %div3A = arith.constant 5.120000e+02 : f32
    %div3A_5 = arith.divf %neg3A_4, %div3A : f32
    %iota3A = tpu.iota {dimensions = array<i32: 1>} : vector<1x512xi32>
    %convert_element_type3A = arith.sitofp %iota3A : vector<1x512xi32> to vector<1x512xf32>
    %mul3A = vector.broadcast %div3A_5 : f32 to vector<1x512xf32>
    %mul3A_6 = arith.mulf %mul3A, %convert_element_type3A : vector<1x512xf32>
    %exp3A = math.exp %mul3A_6 : vector<1x512xf32>
    %mul3A_7 = vector.broadcast %concatenate3A : vector<17x1xf32> to vector<17x512xf32>
    %mul3A_8 = vector.broadcast %exp3A : vector<1x512xf32> to vector<17x512xf32>
    %mul3A_9 = arith.mulf %mul3A_7, %mul3A_8 : vector<17x512xf32>
    %sin3A = math.sin %mul3A_9 : vector<17x512xf32>
    %cos3A = math.cos %mul3A_9 : vector<17x512xf32>
    %concatenate3A_10 = tpu.concatenate %sin3A, %cos3A in 1 : vector<17x512xf32>, vector<17x512xf32> -> vector<17x1024xf32>
    %get3A_11 = arith.constant 0 : index
    %get3A_12 = arith.constant 0 : index
    %get3A_13 = vector.load %arg8[%get3A_11, %get3A_12] : memref<1024x1024xf32, #tpu.memory_space<vmem>>, vector<1024x1024xf32>
    %dot_general3A = arith.constant dense<0.000000e+00> : vector<17x1024xf32>
    %dot_general3A_14 = tpu.matmul %concatenate3A_10, %get3A_13, %dot_general3A {dimension_numbers = #tpu.dot_dimension_numbers<[1], [1], [0], [0], [0, 0, 1, 0], [], []>, transpose_lhs_hint = false} : vector<17x1024xf32>, vector<1024x1024xf32>, vector<17x1024xf32> -> vector<17x1024xf32>
    %get3A_15 = arith.constant 0 : index
    %get3A_16 = arith.constant 0 : index
    %get3A_17 = vector.load %arg9[%get3A_15, %get3A_16] : memref<1x1024xf32, #tpu.memory_space<vmem>>, vector<1x1024xf32>
    %add3A = vector.broadcast %get3A_17 : vector<1x1024xf32> to vector<17x1024xf32>
    %add3A_18 = arith.addf %dot_general3A_14, %add3A : vector<17x1024xf32>
    %neg3A_19 = arith.constant 0.000000e+00 : f32
    %neg3A_20 = vector.broadcast %neg3A_19 : f32 to vector<17x1024xf32>
    %neg3A_21 = arith.subf %neg3A_20, %add3A_18 : vector<17x1024xf32>
    %exp3A_22 = math.exp %neg3A_21 : vector<17x1024xf32>
    %add3A_23 = arith.constant 1.000000e+00 : f32
    %add3A_24 = vector.broadcast %add3A_23 : f32 to vector<17x1024xf32>
    %add3A_25 = arith.addf %add3A_24, %exp3A_22 : vector<17x1024xf32>
    %div3A_26 = arith.divf %add3A_18, %add3A_25 : vector<17x1024xf32>
    %get3A_27 = arith.constant 0 : index
    %get3A_28 = arith.constant 0 : index
    %get3A_29 = vector.load %arg10[%get3A_27, %get3A_28] : memref<1024x1024xf32, #tpu.memory_space<vmem>>, vector<1024x1024xf32>
    %dot_general3A_30 = arith.constant dense<0.000000e+00> : vector<17x1024xf32>
    %dot_general3A_31 = tpu.matmul %div3A_26, %get3A_29, %dot_general3A_30 {dimension_numbers = #tpu.dot_dimension_numbers<[1], [1], [0], [0], [0, 0, 1, 0], [], []>, transpose_lhs_hint = false} : vector<17x1024xf32>, vector<1024x1024xf32>, vector<17x1024xf32> -> vector<17x1024xf32>
    %get3A_32 = arith.constant 0 : index
    %get3A_33 = arith.constant 0 : index
    %get3A_34 = vector.load %arg11[%get3A_32, %get3A_33] : memref<1x1024xf32, #tpu.memory_space<vmem>>, vector<1x1024xf32>
    %add3A_35 = vector.broadcast %get3A_34 : vector<1x1024xf32> to vector<17x1024xf32>
    %add3A_36 = arith.addf %dot_general3A_31, %add3A_35 : vector<17x1024xf32>
    %slice3A = vector.extract_strided_slice %add3A_36 {offsets = [0, 0], sizes = [16, 1024], strides = [1, 1]} : vector<17x1024xf32> to vector<16x1024xf32>
    %slice3A_37 = vector.extract_strided_slice %add3A_36 {offsets = [16, 0], sizes = [1, 1024], strides = [1, 1]} : vector<17x1024xf32> to vector<1x1024xf32>
    %sub3A = vector.broadcast %slice3A_37 : vector<1x1024xf32> to vector<16x1024xf32>
    %sub3A_38 = arith.subf %slice3A, %sub3A : vector<16x1024xf32>
    %swap3A = arith.constant 0 : index
    %swap3A_39 = arith.constant 0 : index
    %swap3A_40 = vector.load %arg14[%swap3A, %swap3A_39] : memref<16x1024xf32, #tpu.memory_space<vmem>>, vector<16x1024xf32>
    tpu.vector_store %arg14[%swap3A, %swap3A_39], %sub3A_38 {strides = array<i32>} : memref<16x1024xf32, #tpu.memory_space<vmem>>, vector<16x1024xf32>,
    %get3A_41 = arith.constant 0 : index
    %get3A_42 = arith.constant 0 : index
    %get3A_43 = vector.load %arg2[%get3A_41, %get3A_42] : memref<9x1024xf32, #tpu.memory_space<vmem>>, vector<9x1024xf32>
    %reduce_sum3A = arith.constant dense<0.000000e+00> : vector<1024xf32>
    %reduce_sum3A_44 = vector.multi_reduction <add>, %get3A_43, %reduce_sum3A [0] : vector<9x1024xf32> to vector<1024xf32>
    %broadcast_in_dim3A_45 = vector.shape_cast %reduce_sum3A_44 : vector<1024xf32> to vector<1x1024xf32>
    %get3A_46 = arith.constant 0 : index
    %get3A_47 = arith.constant 0 : index
    %get3A_48 = vector.load %arg3[%get3A_46, %get3A_47] : memref<7x1024xf32, #tpu.memory_space<vmem>>, vector<7x1024xf32>
    %broadcast_in_dim3A_49 = vector.shape_cast %get3A_48 : vector<7x1024xf32> to vector<7x1x1024xf32>
    %get3A_50 = arith.constant 0 : index
    %get3A_51 = arith.constant 0 : index
    %get3A_52 = vector.load %arg4[%get3A_50, %get3A_51] : memref<4x1024xf32, #tpu.memory_space<vmem>>, vector<4x1024xf32>
    %broadcast_in_dim3A_53 = vector.shape_cast %get3A_52 : vector<4x1024xf32> to vector<1x4x1024xf32>
    %add3A_54 = vector.broadcast %broadcast_in_dim3A_49 : vector<7x1x1024xf32> to vector<7x4x1024xf32>
    %add3A_55 = vector.broadcast %broadcast_in_dim3A_53 : vector<1x4x1024xf32> to vector<7x4x1024xf32>
    %add3A_56 = arith.addf %add3A_54, %add3A_55 : vector<7x4x1024xf32>
    %reshape3A = vector.shape_cast %add3A_56 : vector<7x4x1024xf32> to vector<28x1024xf32>
    %broadcast_in_dim3A_57 = arith.constant 0.000000e+00 : f32
    %broadcast_in_dim3A_58 = vector.broadcast %broadcast_in_dim3A_57 : f32 to vector<1x1024xf32>
    %concatenate3A_59 = tpu.concatenate %reshape3A, %broadcast_in_dim3A_58 in 0 : vector<28x1024xf32>, vector<1x1024xf32> -> vector<29x1024xf32>
    %get3A_60 = arith.constant 0 : index
    %get3A_61 = arith.constant 0 : index
    %get3A_62 = vector.load %arg1[%get3A_60, %get3A_61] : memref<32x1024xf32, #tpu.memory_space<vmem>>, vector<32x1024xf32>
    %concatenate3A_63 = tpu.concatenate %get3A_62, %broadcast_in_dim3A_45 in 0 : vector<32x1024xf32>, vector<1x1024xf32> -> vector<33x1024xf32>
    %add3A_64 = vector.broadcast %slice3A_37 : vector<1x1024xf32> to vector<33x1024xf32>
    %add3A_65 = arith.addf %concatenate3A_63, %add3A_64 : vector<33x1024xf32>
    %broadcast_in_dim3A_66 = vector.shape_cast %add3A_65 : vector<33x1024xf32> to vector<33x1x1024xf32>
    %broadcast_in_dim3A_67 = vector.shape_cast %concatenate3A_59 : vector<29x1024xf32> to vector<1x29x1024xf32>
    %add3A_68 = vector.broadcast %broadcast_in_dim3A_66 : vector<33x1x1024xf32> to vector<33x29x1024xf32>
    %add3A_69 = vector.broadcast %broadcast_in_dim3A_67 : vector<1x29x1024xf32> to vector<33x29x1024xf32>
    %add3A_70 = arith.addf %add3A_68, %add3A_69 : vector<33x29x1024xf32>
    %reshape3A_71 = vector.shape_cast %add3A_70 : vector<33x29x1024xf32> to vector<957x1024xf32>
    %add3A_72 = arith.addf %broadcast_in_dim3A_45, %slice3A_37 : vector<1x1024xf32>
    %add3A_73 = vector.broadcast %add3A_72 : vector<1x1024xf32> to vector<16x1024xf32>
    %add3A_74 = arith.addf %add3A_73, %sub3A_38 : vector<16x1024xf32>
    %concatenate3A_75 = tpu.concatenate %reshape3A_71, %add3A_74 in 0 : vector<957x1024xf32>, vector<16x1024xf32> -> vector<973x1024xf32>
    %swap3A_76 = arith.constant 0 : index
    %swap3A_77 = arith.constant 0 : index
    %swap3A_78 = vector.load %arg12[%swap3A_76, %swap3A_77] : memref<973x1024xf32, #tpu.memory_space<vmem>>, vector<973x1024xf32>
    tpu.vector_store %arg12[%swap3A_76, %swap3A_77], %concatenate3A_75 {strides = array<i32>} : memref<973x1024xf32, #tpu.memory_space<vmem>>, vector<973x1024xf32>,
    %get3A_79 = arith.constant 0 : index
    %get3A_80 = arith.constant 0 : index
    %get3A_81 = vector.load %arg5[%get3A_79, %get3A_80] : memref<1x1024xf32, #tpu.memory_space<vmem>>, vector<1x1024xf32>
    %get3A_82 = arith.constant 0 : index
    %get3A_83 = arith.constant 0 : index
    %get3A_84 = vector.load %arg6[%get3A_82, %get3A_83] : memref<1x1024xf32, #tpu.memory_space<vmem>>, vector<1x1024xf32>
    %get3A_85 = arith.constant 0 : index
    %get3A_86 = arith.constant 0 : index
    %get3A_87 = vector.load %arg7[%get3A_85, %get3A_86] : memref<3x1024xf32, #tpu.memory_space<vmem>>, vector<3x1024xf32>
    %concatenate3A_88 = tpu.concatenate %get3A_81, %get3A_84, %get3A_87 in 0 : vector<1x1024xf32>, vector<1x1024xf32>, vector<3x1024xf32> -> vector<5x1024xf32>
    %swap3A_89 = arith.constant 0 : index
    %swap3A_90 = arith.constant 0 : index
    %swap3A_91 = vector.load %arg13[%swap3A_89, %swap3A_90] : memref<5x1024xf32, #tpu.memory_space<vmem>>, vector<5x1024xf32>
    tpu.vector_store %arg13[%swap3A_89, %swap3A_90], %concatenate3A_88 {strides = array<i32>} : memref<5x1024xf32, #tpu.memory_space<vmem>>, vector<5x1024xf32>,
    return
  }
}

</mosaic_0001>

<sc_bundles>
// kernel: kernel.5.cloned.1.call-start
scs
__scs_entry_jumppad:
0x0: {  	(pc) =	sbr.rel $0x88, $3  }
0x1: {  	(tag) =	ssettag $0x0;
	lr =	simm.s32 $0x1  }
0x2: {  	[smem:$0x3F8D] =	sst lr;
	_ =	strace $0xD0000000  }
0x3: {  	_ = 	snop  }
0x4: {  	_ = 	snop  }
0x5: {  	_ = 	snop  }
0x6: {  	_ = 	snop  }
0x7: {  	_ = 	snop  }
__scs_overlays_trampoline_lowered:
0x8: {  	[smem:$0x3F9C] =	sst s0  }
0x9: {  	[smem:$0x3F9D] =	sst s1  }
0xa: {  	[smem:$0x3F9E] =	sst s2  }
0xb: {  	[smem:$0x3F9F] =	sst s3  }
0xc: {  	[smem:$0x3FA0] =	sst s4  }
0xd: {  	[smem:$0x3FA1] =	sst s5  }
0xe: {  	[smem:$0x3FA2] =	sst s6  }
0xf: {  	[smem:$0x3FA3] =	sst s7  }
0x10: {  	[smem:$0x3FA4] =	sst s8  }
0x11: {  	[smem:$0x3FA5] =	sst s9;
	s0 =	simm.s32 @!p0 $0x0  }
0x12: {  	s1 =	sld [smem:$0x3F8B];
	s0 =	simm.s32 @p0 $0x1  }
0x13: {  	[smem:$0x3FA6] =	sst s0;
	s0 =	simm.s32 @!p1 $0x0  }
0x14: {  	s2 =	sld [smem:$0x3F8A];
	s0 =	simm.s32 @p1 $0x1  }
0x15: {  	[smem:$0x3FA7] =	sst s0;
	s0 =	simm.s32 @!p2 $0x0  }
0x16: {  	s3 =	sld [smem:$0x3FDB];
	s0 =	simm.s32 @p2 $0x1  }
0x17: {  	s4 =	simm.s32 $0x1BF5;
	[smem:$0x3FA9] =	sst s0  }
0x18: {  	s0 =	sld [smem:$0x3F8C];
	_ =	swait.ge [sflag:s4], $0x0  }
0x19: {  	s7 =	sld [smem:$0x3F8D]  }
0x1a: {  	s8 =	sadd.s32 $0xFFFFE003, lr  }
0x1b: {  	s9 =	sadd.s32 $0xFFFFFEF7, lr;
	s5 =	simm.s32 $0xFFFFFFFF;
	p2 =	slt.u32 s8, $0xFFFFF086  }
0x1c: {  	p1 =	slt.u32 s9, $0xF7A;
	s5 =	simm.s32 @!p2 $0x0  }
0x1d: {  	s5 =	simm.s32 @p1 $0x1;
	p0 =	seq.s32 s7, s2  }
0x1e: {  	s7 =	smul.u32 @!p0 $0xF7A, s2;
	p2 =	seq.s32 @!p0 s5, $0x0  }
0x1f: {  	s9 =	smul.u32 $0xF7A, s1;
	s8 =	simm.s32 @!p0 $0x1BF5;
	p2 =	por !p2, p0  }
0x20: {  	[sflag:s8] =	ssyncset.s32 @!p0 $0xFFFFF086;
	s6 =	sadd.s32 @!p0 s3, s7;
	s7 =	simm.s32 @!p0 $0x108  }
0x21: {  	s3 =	sadd.s32 s3, s9;
	s6 =	sadd.s32 @!p0 $0x88, s6;
	s7 =	simm.s32 @p2 $0x1082  }
0x22: {  	[simem:s7], [sflag:s8] =	dma.local @!p0 [hbm:s6], $0xF7A  }
0x23: {  	s9 =	sor.u32 $0xD0000000, s2;
	s6 =	simm.s32 $0x108;
	_ =	swait.ge @!p0 [sflag:s8], $0x0  }
0x24: {  	s3 =	sadd.s32 $0x88, s3;
	s6 =	simm.s32 @!p1 $0x1082;
	[sflag:s4] =	ssyncset.s32 $0xFFFFF086  }
0x25: {  	[simem:s6], [sflag:s4] =	dma.local [hbm:s3], $0xF7A  }
0x26: {  	[smem:$0x3F8D] =	sst s1;
	(tag) =	ssettag s2;
	_ =	strace s9  }
0x27: {  	s1 =	sld [smem:$0x3F9D]  }
0x28: {  	s2 =	sld [smem:$0x3F9E]  }
0x29: {  	s4 =	sld [smem:$0x3FA0]  }
0x2a: {  	p0 =	seq.s32 s5, $0x0;
	s5 =	sld [smem:$0x3FA1]  }
0x2b: {  	s6 =	sld [smem:$0x3FA2]  }
0x2c: {  	s7 =	sld [smem:$0x3FA3]  }
0x2d: {  	s3 =	simm.s32 $0x108;
	s8 =	sld [smem:$0x3FA4]  }
0x2e: {  	s3 =	simm.s32 @!p0 $0x1082;
	s9 =	sld [smem:$0x3FA5]  }
0x2f: {  	lr =	sadd.s32 s0, s3;
	s0 =	sld [smem:$0x3F9C]  }
0x30: {  	s3 =	sld [smem:$0x3F9F]  }
0x31: {  	[smem:$0x3FA8] =	sst s10  }
0x32: {  	s10 =	sld [smem:$0x3FA6];
	_ =	sdelay $0x3  }
0x33: {  	p0 =	seq.s32 s10, $0x1;
	s10 =	sld [smem:$0x3FA8];
	_ =	sdelay $0x3  }
0x34: {  	[smem:$0x3FA8] =	sst s10  }
0x35: {  	s10 =	sld [smem:$0x3FA7];
	_ =	sdelay $0x3  }
0x36: {  	p1 =	seq.s32 s10, $0x1;
	s10 =	sld [smem:$0x3FA8];
	_ =	sdelay $0x3  }
0x37: {  	[smem:$0x3FA8] =	sst s10  }
0x38: {  	s10 =	sld [smem:$0x3FA9]  }
0x39: {  	_ = 	snop;
	(pc) =	sbr.ind lr, $3  }
0x3a: {  	_ = 	snop  }
0x3b: {  	_ = 	snop  }
0x3c: {  	p2 =	seq.s32 s10, $0x1;
	s10 =	sld [smem:$0x3FA8]  }
0x3d: {  	_ =	shalt  }
0x3e: {  	_ =	shalt  }
0x3f: {  	_ =	shalt  }
0x40: {  	_ =	shalt  }
0x41: {  	_ =	shalt  }
0x42: {  	_ =	shalt  }
0x43: {  	_ =	shalt  }
0x44: {  	_ =	shalt  }
0x45: {  	_ =	shalt  }
0x46: {  	_ =	shalt  }
0x47: {  	_ =	shalt  }
0x48: {  	_ =	shalt  }
0x49: {  	_ =	shalt  }
0x4a: {  	_ =	shalt  }
0x4b: {  	_ =	shalt  }
0x4c: {  	_ =	shalt  }
0x4d: {  	_ =	shalt  }
0x4e: {  	_ =	shalt  }
0x4f: {  	_ =	shalt  }
0x50: {  	_ =	shalt  }
0x51: {  	_ =	shalt  }
0x52: {  	_ =	shalt  }
0x53: {  	_ =	shalt  }
0x54: {  	_ =	shalt  }
0x55: {  	_ =	shalt  }
0x56: {  	_ =	shalt  }
0x57: {  	_ =	shalt  }
0x58: {  	_ =	shalt  }
0x59: {  	_ =	shalt  }
0x5a: {  	_ =	shalt  }
0x5b: {  	_ =	shalt  }
0x5c: {  	_ =	shalt  }
0x5d: {  	_ =	shalt  }
0x5e: {  	_ =	shalt  }
0x5f: {  	_ =	shalt  }
0x60: {  	_ =	shalt  }
0x61: {  	_ =	shalt  }
0x62: {  	_ =	shalt  }
0x63: {  	_ =	shalt  }
0x64: {  	_ =	shalt  }
0x65: {  	_ =	shalt  }
0x66: {  	_ =	shalt  }
0x67: {  	_ =	shalt  }
0x68: {  	_ =	shalt  }
0x69: {  	_ =	shalt  }
0x6a: {  	_ =	shalt  }
0x6b: {  	_ =	shalt  }
0x6c: {  	_ =	shalt  }
0x6d: {  	_ =	shalt  }
0x6e: {  	_ =	shalt  }
0x6f: {  	_ =	shalt  }
0x70: {  	_ =	shalt  }
0x71: {  	_ =	shalt  }
0x72: {  	_ =	shalt  }
0x73: {  	_ =	shalt  }
0x74: {  	_ =	shalt  }
0x75: {  	_ =	shalt  }
0x76: {  	_ =	shalt  }
0x77: {  	_ =	shalt  }
0x78: {  	_ =	shalt  }
0x79: {  	_ =	shalt  }
0x7a: {  	_ =	shalt  }
0x7b: {  	_ =	shalt  }
0x7c: {  	_ =	shalt  }
0x7d: {  	_ =	shalt  }
0x7e: {  	_ =	shalt  }
0x7f: {  	_ =	shalt  }
0x80: {  	_ =	shalt  }
0x81: {  	_ =	shalt  }
0x82: {  	_ =	shalt  }
0x83: {  	_ =	shalt  }
0x84: {  	_ =	shalt  }
0x85: {  	_ =	shalt  }
0x86: {  	_ =	shalt  }
0x87: {  	_ =	shalt  }
.Lfunc_end0:
.L_simem_size_0:
called_computation_lowered:
.L_overlay_start_0:
0x88: {  	s2 =	sld [smem:$0x3FD9]  }
0x89: {  	s3 =	sld [smem:$0x3FFE];
	_ =	sdelay $0x1  }
0x8a: {  	s1 =	srdreg.scid  }
0x8b: {  	s0 =	sand.u32 $0x1, s1  }
0x8c: {  	s17 =	sshll.u32 s0, $0xA;
	s2 =	sadd.s32 s3, s2  }
0x8d: {  	s2 =	sadd.s32 s2, s17  }
0x8e: {  	[smem:$0x3FB4] =	sst s2  }
0x8f: {  	_ = 	snop  }
0x90: {  	s2 =	sld [smem:$0x3FD0];
	(tm) =	ssettm $0x1  }
0x91: {  	s18 =	sld [smem:$0x3FFB];
	_ =	sdelay $0x3  }
0x92: {  	_ =	strace s18  }
0x93: {  	s3 =	sld [smem:$0x3FFC];
	_ =	sdelay $0x3  }
0x94: {  	_ =	strace s3  }
0x95: {  	s3 =	sld [smem:$0x3FFD];
	_ =	sdelay $0x3  }
0x96: {  	_ =	strace s3  }
0x97: {  	_ =	strace $0x8FFFFFFF  }
0x98: {  	s19 =	sld [smem:$0x3FDB];
	_ =	sdelay $0x1  }
0x99: {  	s4 =	simm.s32 $_scs_section_size  }
0x9a: {  	s5 =	simm.s32 $_size__tile_overlayer_lowered;
	s6 =	simm.s32 $_tile_overlayer_lowered  }
0x9b: {  	s22 =	simm.s32 $0x1BFF;
	s21 =	sshll.u32 s6, $0x1;
	s3 =	sadd.s32 s4, s19  }
0x9c: {  	s7 =	simm.s32 $0x0;
	s20 =	sshll.u32 s5, $0x1;
	s5 =	sadd.s32 s21, s3  }
0x9d: {  	[timem:s7], [sflag:s22] =	dma.local [hbm:s5], s20  }
0x9e: {  	_ =	swait.ge [sflag:s22], s20  }
0x9f: {  	s4 =	ssub.s32 $0x0, s20;
	[sflag:s22] =	ssyncset.done $0x0  }
0xa0: {  	[sflag:s22] =	ssyncadd.s32 s4;
	_ =	sdelay $0x1  }
0xa1: {  	s23 =	simm.s32 $0x1B8B  }
0xa2: {  	_ =	swait.ge [sflag:s23], $0x1  }
0xa3: {  	[sflag:s23] =	ssyncset.done $0x0  }
0xa4: {  	s25 =	simm.s32 $0x1B8E;
	s24 =	sld [smem:$0x3FFE];
	[sflag:s23] =	ssyncadd.s32 $0xFFFFFFFF  }
0xa5: {  	s26 =	simm.s32 $execute0_lowered;
	[smem:$0x3FD2] =	sst s25  }
0xa6: {  	s5 =	sshll.u32 s26, $0x1;
	_ =	strace $0x80000046;
	[dreg:$0x1] =	wrdreg $0xFFFFFFFF  }
0xa7: {  	s28 =	simm.s32 $_size_execute0_lowered;
	s3 =	sadd.s32 s3, s5;
	[dreg:$0x0] =	wrdreg $0x0  }
0xa8: {  	s5 =	sshll.u32 s28, $0x1;
	[dreg:$0x2] =	wrdreg s3  }
0xa9: {  	[dreg:$0x3] =	wrdreg s5  }
0xaa: {  	[dreg:$0x4] =	wrdreg $0xC0  }
0xab: {  	_ =	task [dreg:s7], $0x5FFFF  }
0xac: {  	[dreg:$0x1] =	wrdreg $0xFFFFFFFF  }
0xad: {  	[dreg:$0x0] =	wrdreg $0x60  }
0xae: {  	[dreg:$0x2] =	wrdreg s24  }
0xaf: {  	[dreg:$0x3] =	wrdreg s2  }
0xb0: {  	[dreg:$0x4] =	wrdreg $0x9  }
0xb1: {  	_ =	task.clear_ibuf [dreg:s7], $0x5FFFF;
	_ =	strace $0x90000046  }
0xb2: {  	s29 =	simm.s32 $0x9;
	_ =	strace $0x80000048  }
0xb3: {  	_ =	swait.ge [sflag:s29], $0x1  }
0xb4: {  	[sflag:s29] =	ssyncadd.s32 $0xFFFFFFFF  }
0xb5: {  	_ =	strace $0x90000048  }
0xb6: {  	_ =	sfence  }
0xb7: {  	s30 =	sld [smem:$0x0];
	_ =	sdelay $0x2  }
0xb8: {  	s31 =	sshll.u32 s1, $0xD;
	s1 =	sshrl.u32 s1, $0x2  }
0xb9: {  	s3 =	sand.u32 $0x4000, s31;
	s1 =	sadd.s32 s1, s30  }
0xba: {  	s0 =	sor.u32 s3, s0;
	s1 =	sshll.u32 s1, $0x11  }
0xbb: {  	s0 =	sor.u32 s1, s0  }
0xbc: {  	s0 =	sadd.s32 $0x8F2B, s0  }
0xbd: {  	[sflag:s0] =	ssyncadd.remote.s32 $0x1  }
0xbe: {  	_ =	sfence.sel $0xFFFF  }
0xbf: {  	[dreg:$0x0] =	wrdreg $0xFFFFFFFF;
	(pc) =	sbr.abs _section_cstart, $3  }
0xc0: {  	[dreg:$0x1] =	wrdreg $0xFFFFFFFF  }
0xc1: {  	_ =	task.clear_ibuf [dreg:s7], $0x2FFFF;
	_ =	strace $0x9FFFFFFF  }
0xc2: {  	(tm) =	ssettm $0x7FFFFFFF  }
0xc3: {  	_ =	shalt  }
tec
execute0_lowered:
.L_overlay_start_1:
0x0: {  	(tag) =	ssettag $0x1  }
0x1: {  	s0 =	srdreg.scid  }
0x2: {  	s5 =	stileid.u32;
	s20 =	rddreg [dreg:$0x0]  }
0x3: {  	s12 =	rddreg [dreg:$0x1];
	s2 =	simm.s32 $0x0;
	s4 =	simm.s32 $0x1  }
0x4: {  	s21 =	simm.s32 $0x3;
	s23 =	simm.s32 $0x8000;
	s24 =	simm.s32 $0xB800  }
0x5: {  	s25 =	simm.s32 $0xC000;
	s26 =	simm.s32 $0x2;
	s28 =	simm.s32 $0x0  }
0x6: {  	s0 =	sand.u32 $0x1, s0;
	s1 =	sshll.u32 s5, $0x1;
	[smem:$0x7FF] =	sst s2  }
0x7: {  	s3 =	sadd.s32 $0xD000, s20;
	s10 =	sadd.s32 $0xD200, s20;
	s11 =	sadd.s32 $0xD300, s20  }
0x8: {  	s14 =	sadd.s32 $0x2C080, s20;
	s15 =	sadd.s32 $0x2C100, s20;
	s16 =	sadd.s32 $0x2C180, s20  }
0x9: {  	s17 =	sadd.s32 $0x2C200, s20;
	s18 =	sadd.s32 $0x2C280, s20;
	s1 =	sor.u32 s0, s1  }
0xa: {  	s19 =	sadd.s32 $0x2C300, s20;
	p1 =	seq.s32 s0, $0x1;
	p0 =	seq.s32 s1, $0x0  }
0xb: {  	_ =	strace $0x80000047;
	s0 =	ssub.s32 $0x2, s0;
	p0 =	por !p0, !p1  }
0xc: {  	s29 =	sshll.u32 s1, $0x9;
	s7 =	sshll.u32 s1, $0x7;
	p0 =	por !p0, !p0  }
0xd: {  	s31 =	sshrl.u32 s0, $0x1;
	s1 =	sshll.u32 s1, $0x11;
	s4 =	simm.s32 @!p0 $0x0  }
0xe: {  	s8 =	sadd.s32 s29, s20;
	s7 =	sadd.s32 s7, s20;
	s4 =	ssub.s32 s5, s4  }
0xf: {  	s0 =	ssub.s32 s0, s31;
	s6 =	sshll.u32 s4, $0xA;
	s4 =	sshll.u32 s4, $0x7  }
.Ltmp0:
0x10: {  	s6 =	sand.u32 $0xFFFFE000, s6;
	s4 =	sand.u32 $0x380, s4;
	(pc) =	sbr.rel .LBB2_1-.Ltmp0, $4  }
0x11: {  	s12 =	sadd.s32 s12, s1;
	s7 =	sadd.s32 $0x7000, s7;
	s30 =	sor.u32 s4, s6  }
0x12: {  	v2 =	vlaneseq.u32;
	s13 =	smax.u32 s0, $0x1;
	s5 =	simm.s32 $0x1;
	s6 =	sshrl.u32 s30, $0x3  }
0x13: {  	vm0 =	vmmov $0xffff;
	v1 =	vshrl.u32 v2, $0x3;
	s4 =	sadd.s32 $0x2C000, s20;
	s9 =	sadd.s32 s6, s20;
	s6 =	sadd.s32 $0x3000, s8  }
0x14: {  	v0 =	vand.u32 $0x7, v2;
	v2 =	vor.u32 $0x8, v2;
	v1 =	vmul.u32 $0x8, v1;
	s8 =	sadd.s32 $0x2B800, s9;
	s9 =	sadd.s32 $0xD100, s20;
	s20 =	sadd.s32 $0x2C380, s20  }
.LBB2_5:
0x15: {  	s28 =	sadd.s32 $0x1, s28  }
0x16: {  	p0 =	sne.s32 s28, s13  }
.Ltmp1:
0x17: {  	_ = 	snop;
	(pc) =	sbr.rel @!p0 .LBB2_6-.Ltmp1, $4  }
0x18: {  	_ = 	snop  }
0x19: {  	_ =	swait.ge [sflag:s26], $0x8000  }
0x1a: {  	[sflag:s26] =	ssyncset.done $0x0  }
0x1b: {  	[sflag:s26] =	ssyncadd.s32 $0xFFFF8000  }
.LBB2_1:
0x1c: {  	[tilespmem:s2], [sflag:$0x3] =	stream.linear.gather [hbm4b:s6+s2], $0x1000, $0x38;
	[tilespmem:$0x14800] =	vst v63  }
0x1d: {  	_ =	swait.ge [sflag:s21], $0x1000  }
0x1e: {  	[sflag:s21] =	ssyncset.done $0x0  }
0x1f: {  	s0 =	simm.s32 $0x400;
	s1 =	simm.s32 $0x1000;
	[sflag:s21] =	ssyncadd.s32 $0xFFFFF000  }
0x20: {  	[tilespmem:s1], [sflag:$0x3] =	stream.strided.gather [hbm4b:s7+s0], $0x1800, s23, s0, $0x38;
	[tilespmem:$0x14800] =	vst v63  }
0x21: {  	_ =	swait.ge [sflag:s21], $0x1800  }
0x22: {  	[sflag:s21] =	ssyncset.done $0x0  }
0x23: {  	s31 =	simm.s32 $0x2800;
	[sflag:s21] =	ssyncadd.s32 $0xFFFFE800  }
0x24: {  	[tilespmem:s31], [sflag:$0x3] =	stream.linear.gather [hbm4b:s4+s2], $0x280, $0x38;
	[tilespmem:$0x14800] =	vst v63  }
0x25: {  	s1 =	simm.s32 $0x2C00  }
0x26: {  	[tilespmem:s1], [sflag:$0x3] =	stream.linear.gather [hbm4b:s14+s2], $0x280, $0x38;
	[tilespmem:$0x14800] =	vst v63  }
0x27: {  	s22 =	simm.s32 $0x3000  }
0x28: {  	[tilespmem:s22], [sflag:$0x3] =	stream.linear.gather [hbm4b:s15+s2], $0x280, $0x38;
	[tilespmem:$0x14800] =	vst v63  }
0x29: {  	s30 =	simm.s32 $0x3400  }
0x2a: {  	[tilespmem:s30], [sflag:$0x3] =	stream.linear.gather [hbm4b:s16+s2], $0x280, $0x38;
	[tilespmem:$0x14800] =	vst v63  }
0x2b: {  	s31 =	simm.s32 $0x3800  }
0x2c: {  	[tilespmem:s31], [sflag:$0x3] =	stream.linear.gather [hbm4b:s17+s2], $0x280, $0x38;
	[tilespmem:$0x14800] =	vst v63  }
0x2d: {  	s1 =	simm.s32 $0x3C00  }
0x2e: {  	[tilespmem:s1], [sflag:$0x3] =	stream.linear.gather [hbm4b:s18+s2], $0x280, $0x38;
	[tilespmem:$0x14800] =	vst v63  }
0x2f: {  	s22 =	simm.s32 $0x4000  }
0x30: {  	[tilespmem:s22], [sflag:$0x3] =	stream.linear.gather [hbm4b:s19+s2], $0x280, $0x38;
	[tilespmem:$0x14800] =	vst v63  }
0x31: {  	s30 =	simm.s32 $0x4400  }
0x32: {  	[tilespmem:s30], [sflag:$0x3] =	stream.linear.gather [hbm4b:s20+s2], $0x280, $0x38;
	[tilespmem:$0x14800] =	vst v63  }
0x33: {  	_ =	swait.ge [sflag:s21], $0x1400  }
0x34: {  	[sflag:s21] =	ssyncset.done $0x0  }
0x35: {  	s31 =	simm.s32 $0x2A80;
	[sflag:s21] =	ssyncadd.s32 $0xFFFFEC00  }
0x36: {  	[tilespmem:s31], [sflag:$0x3] =	stream.linear.gather [hbm4b:s8+s2], $0x80, $0x38;
	[tilespmem:$0x14800] =	vst v63  }
0x37: {  	s29 =	sadd.s32 $0x80, s8;
	s1 =	simm.s32 $0x2E80  }
0x38: {  	[tilespmem:s1], [sflag:$0x3] =	stream.linear.gather [hbm4b:s29+s2], $0x80, $0x38;
	[tilespmem:$0x14800] =	vst v63  }
0x39: {  	s22 =	simm.s32 $0x3280;
	s29 =	sadd.s32 $0x100, s8  }
0x3a: {  	[tilespmem:s22], [sflag:$0x3] =	stream.linear.gather [hbm4b:s29+s2], $0x80, $0x38;
	[tilespmem:$0x14800] =	vst v63  }
0x3b: {  	s30 =	simm.s32 $0x3680;
	s29 =	sadd.s32 $0x180, s8  }
0x3c: {  	[tilespmem:s30], [sflag:$0x3] =	stream.linear.gather [hbm4b:s29+s2], $0x80, $0x38;
	[tilespmem:$0x14800] =	vst v63  }
0x3d: {  	s31 =	simm.s32 $0x3A80;
	s29 =	sadd.s32 $0x200, s8  }
0x3e: {  	[tilespmem:s31], [sflag:$0x3] =	stream.linear.gather [hbm4b:s29+s2], $0x80, $0x38;
	[tilespmem:$0x14800] =	vst v63  }
0x3f: {  	s1 =	simm.s32 $0x3E80;
	s29 =	sadd.s32 $0x280, s8  }
0x40: {  	[tilespmem:s1], [sflag:$0x3] =	stream.linear.gather [hbm4b:s29+s2], $0x80, $0x38;
	[tilespmem:$0x14800] =	vst v63  }
0x41: {  	s22 =	simm.s32 $0x4280;
	s29 =	sadd.s32 $0x300, s8  }
0x42: {  	[tilespmem:s22], [sflag:$0x3] =	stream.linear.gather [hbm4b:s29+s2], $0x80, $0x38;
	[tilespmem:$0x14800] =	vst v63  }
0x43: {  	s30 =	simm.s32 $0x4680;
	s29 =	sadd.s32 $0x380, s8  }
0x44: {  	[tilespmem:s30], [sflag:$0x3] =	stream.linear.gather [hbm4b:s29+s2], $0x80, $0x38;
	[tilespmem:$0x14800] =	vst v63  }
0x45: {  	_ =	swait.ge [sflag:s21], $0x400  }
0x46: {  	[sflag:s21] =	ssyncset.done $0x0  }
0x47: {  	[sflag:s21] =	ssyncadd.s32 $0xFFFFFC00  }
0x48: {  	v3 =	vld [tilespmem:$0x0];
	_ =	sdelay $0x4  }
0x49: {  	v4 =	vshll.u32 v3, $0x3  }
0x4a: {  	v3 =	vand.u32 $0x7, v3;
	v4 =	vand.u32 $0xFFFFFFC0, v4  }
0x4b: {  	v3 =	vor.u32 v3, v4  }
0x4c: {  	v4 =	vperm.xlane v3, v0;
	_ =	sdelay $0x1  }
0x4d: {  	v4 =	vadd.s32 v1, v4;
	_ =	sdelay $0x3  }
0x4e: {  	s31 =	simm.s32 $0x4800  }
0x4f: {  	[tilespmem:s31], [sflag:$0x1] =	stream.indirect_vreg.gather [hbm4b:s3+s2], $0x80, v4, vm0, $0xb8;
	[tilespmem:$0x14800] =	vst v63  }
0x50: {  	s1 =	simm.s32 $0x5000;
	v3 =	vperm.xlane v3, v2  }
0x51: {  	[tilespmem:s1], [sflag:$0x1] =	stream.indirect_vreg.gather [hbm4b:s9+s2], $0x80, v4, vm0, $0xb8;
	[tilespmem:$0x14800] =	vst v63  }
0x52: {  	s22 =	simm.s32 $0x5800;
	v3 =	vadd.s32 v1, v3  }
0x53: {  	[tilespmem:s22], [sflag:$0x1] =	stream.indirect_vreg.gather [hbm4b:s10+s2], $0x80, v4, vm0, $0xb8;
	[tilespmem:$0x14800] =	vst v63  }
0x54: {  	s30 =	simm.s32 $0x6000  }
0x55: {  	[tilespmem:s30], [sflag:$0x1] =	stream.indirect_vreg.gather [hbm4b:s11+s2], $0x80, v4, vm0, $0xb8;
	[tilespmem:$0x14800] =	vst v63  }
0x56: {  	s31 =	simm.s32 $0x6800  }
0x57: {  	[tilespmem:s31], [sflag:$0x1] =	stream.indirect_vreg.gather [hbm4b:s3+s2], $0x80, v3, vm0, $0xb8;
	[tilespmem:$0x14800] =	vst v63  }
0x58: {  	s1 =	simm.s32 $0x7000  }
0x59: {  	[tilespmem:s1], [sflag:$0x1] =	stream.indirect_vreg.gather [hbm4b:s9+s2], $0x80, v3, vm0, $0xb8;
	[tilespmem:$0x14800] =	vst v63  }
0x5a: {  	s22 =	simm.s32 $0x7800  }
0x5b: {  	[tilespmem:s22], [sflag:$0x1] =	stream.indirect_vreg.gather [hbm4b:s10+s2], $0x80, v3, vm0, $0xb8;
	[tilespmem:$0x14800] =	vst v63  }
0x5c: {  	_ = 	snop  }
0x5d: {  	[tilespmem:s23], [sflag:$0x1] =	stream.indirect_vreg.gather [hbm4b:s11+s2], $0x80, v3, vm0, $0xb8;
	[tilespmem:$0x14800] =	vst v63  }
0x5e: {  	v3 =	vld [tilespmem:$0x10];
	_ =	sdelay $0x4  }
0x5f: {  	v63 =	vshll.u32 v3, $0x3  }
0x60: {  	v3 =	vand.u32 $0x7, v3;
	v4 =	vand.u32 $0xFFFFFFC0, v63  }
0x61: {  	v3 =	vor.u32 v3, v4  }
0x62: {  	v4 =	vperm.xlane v3, v0;
	_ =	sdelay $0x1  }
0x63: {  	v4 =	vadd.s32 v1, v4;
	_ =	sdelay $0x3  }
0x64: {  	s30 =	simm.s32 $0x8800  }
0x65: {  	[tilespmem:s30], [sflag:$0x1] =	stream.indirect_vreg.gather [hbm4b:s3+s2], $0x80, v4, vm0, $0xb8;
	[tilespmem:$0x14800] =	vst v63  }
0x66: {  	s31 =	simm.s32 $0x9000;
	v3 =	vperm.xlane v3, v2  }
0x67: {  	[tilespmem:s31], [sflag:$0x1] =	stream.indirect_vreg.gather [hbm4b:s9+s2], $0x80, v4, vm0, $0xb8;
	[tilespmem:$0x14800] =	vst v63  }
0x68: {  	s1 =	simm.s32 $0x9800;
	v3 =	vadd.s32 v1, v3  }
0x69: {  	[tilespmem:s1], [sflag:$0x1] =	stream.indirect_vreg.gather [hbm4b:s10+s2], $0x80, v4, vm0, $0xb8;
	[tilespmem:$0x14800] =	vst v63  }
0x6a: {  	s22 =	simm.s32 $0xA000  }
0x6b: {  	[tilespmem:s22], [sflag:$0x1] =	stream.indirect_vreg.gather [hbm4b:s11+s2], $0x80, v4, vm0, $0xb8;
	[tilespmem:$0x14800] =	vst v63  }
0x6c: {  	s30 =	simm.s32 $0xA800  }
0x6d: {  	[tilespmem:s30], [sflag:$0x1] =	stream.indirect_vreg.gather [hbm4b:s3+s2], $0x80, v3, vm0, $0xb8;
	[tilespmem:$0x14800] =	vst v63  }
0x6e: {  	s31 =	simm.s32 $0xB000  }
0x6f: {  	[tilespmem:s31], [sflag:$0x1] =	stream.indirect_vreg.gather [hbm4b:s9+s2], $0x80, v3, vm0, $0xb8;
	[tilespmem:$0x14800] =	vst v63  }
.Ltmp2:
0x70: {  	_ = 	snop;
	(pc) =	sbr.rel .LBB2_2-.Ltmp2, $4  }
0x71: {  	_ = 	snop  }
0x72: {  	[tilespmem:s24], [sflag:$0x1] =	stream.indirect_vreg.gather [hbm4b:s10+s2], $0x80, v3, vm0, $0xb8;
	[tilespmem:$0x14800] =	vst v63  }
0x73: {  	s29 =	simm.s32 $0x0  }
0x74: {  	[tilespmem:s25], [sflag:$0x1] =	stream.indirect_vreg.gather [hbm4b:s11+s2], $0x80, v3, vm0, $0xb8;
	[tilespmem:$0x14800] =	vst v63  }
.LBB2_4:
0x75: {  	p0 =	slt.u32 s30, $0x20  }
.Ltmp3:
0x76: {  	_ = 	snop;
	(pc) =	sbr.rel @!p0 .LBB2_5-.Ltmp3, $4  }
0x77: {  	_ =	swait.ge [sflag:s5], $0x8000;
	s0 =	sshll.u32 s29, $0xC  }
0x78: {  	s1 =	sshll.u32 s31, $0xF;
	s29 =	smov.u32 s30;
	[sflag:s5] =	ssyncset.done $0x0  }
0x79: {  	s1 =	sor.u32 $0x4800, s1;
	s0 =	sadd.s32 s0, s12;
	[sflag:s5] =	ssyncadd.s32 $0xFFFF8000  }
0x7a: {  	[hbm4b:s0+s2] =	stream.linear.scatter [tilespmem:s1], [sflag:$0x2], $0x8000, $0x38;
	[tilespmem:$0x14800] =	vst v63  }
.LBB2_2:
0x7b: {  	p0 =	seq.s32 s29, $0x0  }
0x7c: {  	p1 =	seq.s32 @!p0 s29, $0x1F  }
0x7d: {  	p1 =	por p0, !p1  }
.Ltmp4:
0x7e: {  	_ = 	snop;
	(pc) =	sbr.rel @!p1 .LBB2_4-.Ltmp4, $4  }
0x7f: {  	s30 =	simm.s32 @!p0 $0x2  }
0x80: {  	_ =	swait.ge @!p0 [sflag:s30], $0x8000  }
0x81: {  	[sflag:s30] =	ssyncset.done @!p0 $0x0  }
0x82: {  	s31 =	sand.u32 $0x1, s29;
	[sflag:s30] =	ssyncadd.s32 @!p0 $0xFFFF8000;
	s30 =	simm.s32 @!p0 $0x20  }
0x83: {  	s30 =	sadd.s32 @!p0 $0x1, s29  }
0x84: {  	s30 =	simm.s32 @p0 $0x1  }
0x85: {  	s1 =	sshll.u32 s30, $0x7  }
0x86: {  	s1 =	sand.u32 $0x3FFFFF80, s1  }
0x87: {  	v3 =	vld [tilespmem:s1+$0x0];
	_ =	sdelay $0x4  }
0x88: {  	v4 =	vshll.u32 v3, $0x3  }
0x89: {  	v3 =	vand.u32 $0x7, v3;
	v4 =	vand.u32 $0xFFFFFFC0, v4  }
0x8a: {  	v3 =	vor.u32 v3, v4  }
0x8b: {  	v4 =	vperm.xlane v3, v0;
	_ =	sdelay $0x1  }
0x8c: {  	v4 =	vadd.s32 v1, v4;
	_ =	sdelay $0x2  }
0x8d: {  	s0 =	sshll.u32 s31, $0xF  }
0x8e: {  	s22 =	sxor.u32 $0xC800, s0  }
0x8f: {  	[tilespmem:s22], [sflag:$0x1] =	stream.indirect_vreg.gather [hbm4b:s3+s2], $0x80, v4, vm0, $0xb8;
	[tilespmem:$0x14800] =	vst v63  }
0x90: {  	v3 =	vperm.xlane v3, v2;
	s22 =	sxor.u32 $0xD000, s0  }
0x91: {  	[tilespmem:s22], [sflag:$0x1] =	stream.indirect_vreg.gather [hbm4b:s9+s2], $0x80, v4, vm0, $0xb8;
	[tilespmem:$0x14800] =	vst v63  }
0x92: {  	v3 =	vadd.s32 v1, v3;
	s22 =	sxor.u32 $0xD800, s0  }
0x93: {  	[tilespmem:s22], [sflag:$0x1] =	stream.indirect_vreg.gather [hbm4b:s10+s2], $0x80, v4, vm0, $0xb8;
	[tilespmem:$0x14800] =	vst v63  }
0x94: {  	s22 =	sxor.u32 $0xE000, s0  }
0x95: {  	[tilespmem:s22], [sflag:$0x1] =	stream.indirect_vreg.gather [hbm4b:s11+s2], $0x80, v4, vm0, $0xb8;
	[tilespmem:$0x14800] =	vst v63  }
0x96: {  	s22 =	sxor.u32 $0xE800, s0  }
0x97: {  	[tilespmem:s22], [sflag:$0x1] =	stream.indirect_vreg.gather [hbm4b:s3+s2], $0x80, v3, vm0, $0xb8;
	[tilespmem:$0x14800] =	vst v63  }
0x98: {  	s22 =	sxor.u32 $0xF000, s0  }
0x99: {  	[tilespmem:s22], [sflag:$0x1] =	stream.indirect_vreg.gather [hbm4b:s9+s2], $0x80, v3, vm0, $0xb8;
	[tilespmem:$0x14800] =	vst v63  }
0x9a: {  	s22 =	sxor.u32 $0xF800, s0  }
0x9b: {  	[tilespmem:s22], [sflag:$0x1] =	stream.indirect_vreg.gather [hbm4b:s10+s2], $0x80, v3, vm0, $0xb8;
	[tilespmem:$0x14800] =	vst v63  }
0x9c: {  	s22 =	ssub.s32 $0x10000, s0  }
0x9d: {  	[tilespmem:s22], [sflag:$0x1] =	stream.indirect_vreg.gather [hbm4b:s11+s2], $0x80, v3, vm0, $0xb8;
	[tilespmem:$0x14800] =	vst v63  }
0x9e: {  	v3 =	vld [tilespmem:s1+$0x10];
	_ =	sdelay $0x4  }
0x9f: {  	v63 =	vshll.u32 v3, $0x3  }
0xa0: {  	v3 =	vand.u32 $0x7, v3;
	v4 =	vand.u32 $0xFFFFFFC0, v63  }
0xa1: {  	v3 =	vor.u32 v3, v4  }
0xa2: {  	v4 =	vperm.xlane v3, v0;
	_ =	sdelay $0x1  }
0xa3: {  	v4 =	vadd.s32 v1, v4;
	_ =	sdelay $0x3  }
0xa4: {  	s22 =	ssub.s32 $0x10800, s0  }
0xa5: {  	[tilespmem:s22], [sflag:$0x1] =	stream.indirect_vreg.gather [hbm4b:s3+s2], $0x80, v4, vm0, $0xb8;
	[tilespmem:$0x14800] =	vst v63  }
0xa6: {  	v3 =	vperm.xlane v3, v2;
	s22 =	ssub.s32 $0x11000, s0  }
0xa7: {  	[tilespmem:s22], [sflag:$0x1] =	stream.indirect_vreg.gather [hbm4b:s9+s2], $0x80, v4, vm0, $0xb8;
	[tilespmem:$0x14800] =	vst v63  }
0xa8: {  	v3 =	vadd.s32 v1, v3;
	s22 =	ssub.s32 $0x11800, s0  }
0xa9: {  	[tilespmem:s22], [sflag:$0x1] =	stream.indirect_vreg.gather [hbm4b:s10+s2], $0x80, v4, vm0, $0xb8;
	[tilespmem:$0x14800] =	vst v63  }
0xaa: {  	s22 =	ssub.s32 $0x12000, s0  }
0xab: {  	[tilespmem:s22], [sflag:$0x1] =	stream.indirect_vreg.gather [hbm4b:s11+s2], $0x80, v4, vm0, $0xb8;
	[tilespmem:$0x14800] =	vst v63  }
0xac: {  	s22 =	ssub.s32 $0x12800, s0  }
0xad: {  	[tilespmem:s22], [sflag:$0x1] =	stream.indirect_vreg.gather [hbm4b:s3+s2], $0x80, v3, vm0, $0xb8;
	[tilespmem:$0x14800] =	vst v63  }
0xae: {  	s22 =	ssub.s32 $0x13000, s0  }
0xaf: {  	[tilespmem:s22], [sflag:$0x1] =	stream.indirect_vreg.gather [hbm4b:s9+s2], $0x80, v3, vm0, $0xb8;
	[tilespmem:$0x14800] =	vst v63  }
.Ltmp5:
0xb0: {  	_ = 	snop;
	(pc) =	sbr.rel .LBB2_4-.Ltmp5, $4  }
0xb1: {  	s22 =	ssub.s32 $0x13800, s0  }
0xb2: {  	[tilespmem:s22], [sflag:$0x1] =	stream.indirect_vreg.gather [hbm4b:s10+s2], $0x80, v3, vm0, $0xb8;
	[tilespmem:$0x14800] =	vst v63  }
0xb3: {  	s0 =	ssub.s32 $0x14000, s0  }
0xb4: {  	[tilespmem:s0], [sflag:$0x1] =	stream.indirect_vreg.gather [hbm4b:s11+s2], $0x80, v3, vm0, $0xb8;
	[tilespmem:$0x14800] =	vst v63  }
.LBB2_6:
0xb5: {  	_ =	sfence.sel $0x180000  }
0xb6: {  	[bflag:$0x0] =	sbarrier.arrive $0xFFFF  }
0xb7: {  	_ =	strace $0x90000047  }
0xb8: {  	s0 =	stileid.u32;
	[bflag:$0x2] =	sbarrier.arrive $0xFFFF  }
0xb9: {  	p0 =	sne.s32 s0, $0x0;
	s0 =	rddreg [dreg:$0x2]  }
0xba: {  	s0 =	sadd.s32 @!p0 $0x100000, s0  }
0xbb: {  	[sflag:s0] =	ssyncadd.tile.s32 @!p0 $0x1;
	_ =	shalt  }
.Lfunc_end2:
_tile_overlayer_lowered:
.L_overlay_start_2:
0xbc: {  	(tag) =	ssettag $0x2  }
0xbd: {  	s0 =	rddreg [dreg:$0x0];
	s2 =	stileid.u32  }
0xbe: {  	s1 =	rddreg [dreg:$0x1];
	p0 =	sne.s32 s2, $0x0  }
0xbf: {  	s3 =	rddreg [dreg:$0x2];
	[bflag:$0x3] =	sbarrier.arrive $0xFFFF;
	s2 =	simm.s32 @!p0 $0x1C03  }
0xc0: {  	[timem:s3], [sflag:s2] =	dma.local @!p0 [hbm:s0], s1  }
0xc1: {  	s0 =	simm.s32 @!p0 $0x3  }
0xc2: {  	_ =	swait.ge @!p0 [sflag:s0], s1  }
0xc3: {  	s1 =	ssub.s32 @!p0 $0x0, s1;
	[sflag:s0] =	ssyncset.done @!p0 $0x0  }
0xc4: {  	[sflag:s0] =	ssyncadd.s32 @!p0 s1  }
0xc5: {  	[bflag:$0x3] =	sbarrier.arrive $0xFFFF  }
0xc6: {  	_ =	shalt  }

</sc_bundles>
